<compile_context>
chip_gen: v7x
topology: tpu7x:2x2x1
jax: 0.10.2.dev20260603
libtpu: 0.0.44.dev20260713+nightly
codegen_flags: <defaults>
</compile_context>

<pallas_src>
import functools

import jax
import jax.numpy as jnp
from jax import lax
from jax.experimental import pallas as pl
from jax.experimental.pallas import tpu as pltpu
from jax.experimental.pallas import tpu_sc as plsc

_E = 8
_K = 2
_H = 768
_B = 4
_S = 8192
_BS = 1024

_NW = 32
_SCH = _S // _NW
_TW = _SCH * _B
_GRP = 16


def _logits_body(x_ref, w_ref, b_ref, o0, o1, o2, o3):
    w = w_ref[...]
    bias = b_ref[...]
    outs = (o0, o1, o2, o3)
    for bi in range(_B):
        xb = x_ref[:, bi, :]
        lg = jax.lax.dot_general(
            xb, w, (((1,), (1,)), ((), ())),
            preferred_element_type=jnp.float32) + bias
        outs[bi][...] = lg.T


def _sc_router(t0_hbm, t1_hbm, t2_hbm, t3_hbm, lgT_hbm, affT_hbm, idxT_hbm,
               in_v, lgT_v, affT_v, idxT_v):
    nc = 2
    wid = lax.axis_index("s") * nc + lax.axis_index("c")
    s0 = wid * _SCH
    t0 = s0 * _B
    ins = (t0_hbm, t1_hbm, t2_hbm, t3_hbm)
    for bi in range(_B):
        pltpu.sync_copy(ins[bi].at[:, pl.ds(s0, _SCH)], in_v.at[bi])

    lane = lax.iota(jnp.int32, 16)

    def group(g, carry):
        base = g * _GRP
        for bi in range(_B):
            v = [in_v[bi, e, pl.ds(base, _GRP)] for e in range(_E)]
            best = v[0]
            bidx = jnp.zeros((16,), jnp.int32)
            for e in range(1, _E):
                upd = v[e] > best
                best = jnp.where(upd, v[e], best)
                bidx = jnp.where(upd, e, bidx)
            ninf = jnp.full((16,), -jnp.inf, jnp.float32)
            b2v = jnp.where(bidx == 0, ninf, v[0])
            b2i = jnp.zeros((16,), jnp.int32)
            for e in range(1, _E):
                ve = jnp.where(bidx == e, ninf, v[e])
                upd = ve > b2v
                b2v = jnp.where(upd, ve, b2v)
                b2i = jnp.where(upd, e, b2i)
            ex = [jnp.exp(v[e] - best) for e in range(_E)]
            tot = ex[0]
            for e in range(1, _E):
                tot = tot + ex[e]
            r = jnp.full((16,), 1.0, jnp.float32) / tot
            pos = (base + lane) * _B + bi
            for e in range(_E):
                col = jnp.full((16,), e, jnp.int32)
                plsc.store_scatter(lgT_v, [col, pos], v[e])
                plsc.store_scatter(affT_v, [col, pos], ex[e] * r)
            plsc.store_scatter(idxT_v, [jnp.zeros((16,), jnp.int32), pos],
                               bidx)
            plsc.store_scatter(idxT_v, [jnp.ones((16,), jnp.int32), pos],
                               b2i)
        return carry

    lax.fori_loop(0, _SCH // _GRP, group, 0)

    pltpu.sync_copy(lgT_v, lgT_hbm.at[:, pl.ds(t0, _TW)])
    pltpu.sync_copy(affT_v, affT_hbm.at[:, pl.ds(t0, _TW)])
    pltpu.sync_copy(idxT_v, idxT_hbm.at[:, pl.ds(t0, _TW)])


@jax.jit
def kernel(hidden_states, W, b):
    s = hidden_states.shape[0]
    t = s * _B
    b2 = b.reshape(1, _E)
    slab = jax.ShapeDtypeStruct((_E, s), jnp.float32)
    lgT0, lgT1, lgT2, lgT3 = pl.pallas_call(
        _logits_body,
        grid=(s // _BS,),
        in_specs=[
            pl.BlockSpec((_BS, _B, _H), lambda i: (i, 0, 0)),
            pl.BlockSpec((_E, _H), lambda i: (0, 0)),
            pl.BlockSpec((1, _E), lambda i: (0, 0)),
        ],
        out_specs=[pl.BlockSpec((_E, _BS), lambda i: (0, i))] * _B,
        out_shape=[slab] * _B,
        compiler_params=pltpu.CompilerParams(
            dimension_semantics=("arbitrary",)),
    )(hidden_states, W, b2)

    mesh = plsc.VectorSubcoreMesh(core_axis_name="c", subcore_axis_name="s")
    sc = functools.partial(
        pl.kernel, mesh=mesh,
        compiler_params=pltpu.CompilerParams(needs_layout_passes=False),
        out_type=[
            jax.ShapeDtypeStruct((_E, t), jnp.float32),
            jax.ShapeDtypeStruct((_E, t), jnp.float32),
            jax.ShapeDtypeStruct((_K, t), jnp.int32),
        ],
        scratch_types=[
            pltpu.VMEM((_B, _E, _SCH), jnp.float32),
            pltpu.VMEM((_E, _TW), jnp.float32),
            pltpu.VMEM((_E, _TW), jnp.float32),
            pltpu.VMEM((_K, _TW), jnp.int32),
        ],
    )(_sc_router)
    lgT, affT, idxT = sc(lgT0, lgT1, lgT2, lgT3)
    return (lgT.T, affT.T, idxT.T)

# --- scband reference (transcript-rebuilt; emitter-appended) ---
"""Pipeline reference for scband-router-top-k-17532056502441 (READ-ONLY COPY).

The authoritative reference and input builder live on the scoring server;
editing this copy changes nothing except your own understanding.
"""

import jax, jax.numpy as jnp
import numpy as np

NUM_EXPERTS = 8
TOP_K = 2
HIDDEN = 768
S = 8192
B = 4


def setup_inputs(seed: int = 0) -> dict:
    key = jax.random.key(seed)
    k1, k2, k3 = jax.random.split(key, 3)
    hidden_states = jax.random.normal(k1, (S, B, HIDDEN), dtype=jnp.float32)
    # Router linear layer parameters (InputParallelLinear: hidden_size -> num_experts)
    W = jax.random.normal(k2, (NUM_EXPERTS, HIDDEN), dtype=jnp.float32) * 0.02
    b = jnp.zeros((NUM_EXPERTS,), dtype=jnp.float32)
    return {"hidden_states": hidden_states, "W": W, "b": b}


def reference(hidden_states, W, b):
    # linear_router: (S, B, H) @ (H, E) -> (S, B, E)
    router_logits = jnp.einsum('sbh,eh->sbe', hidden_states, W) + b
    # flatten token dim: (T, E)
    router_logits = router_logits.reshape(-1, NUM_EXPERTS)
    # softmax in high precision (float64 in torch; downcast-safe under jax default x32)
    expert_affinities = jax.nn.softmax(router_logits.astype(jnp.float64), axis=1)
    # top-k over logits (not affinities), indices detached
    _, expert_index = jax.lax.top_k(router_logits, TOP_K)
    expert_index = expert_index.astype(jnp.int32)
    expert_affinities = expert_affinities.astype(hidden_states.dtype)
    return (router_logits, expert_affinities, expert_index)

if __name__ == "__main__":
    import jax
    _d = setup_inputs()
    print(jax.jit(kernel)(*tuple(_d.values())))

</pallas_src>

<mosaic_0001>
#map = affine_map<(d0, d1) -> (0, 0)>
module attributes {stable_mosaic.version = 14 : i64} {
  func.func @_sc_router(%arg0: i32, %arg1: i32, %arg2: memref<8x8192xf32, #tpu.memory_space<hbm>>, %arg3: memref<8x8192xf32, #tpu.memory_space<hbm>>, %arg4: memref<8x8192xf32, #tpu.memory_space<hbm>>, %arg5: memref<8x8192xf32, #tpu.memory_space<hbm>>, %arg6: memref<8x32768xf32, #tpu.memory_space<hbm>>, %arg7: memref<8x32768xf32, #tpu.memory_space<hbm>>, %arg8: memref<2x32768xi32, #tpu.memory_space<hbm>>, %arg9: memref<4x8x256xf32, #tpu.memory_space<vmem>>, %arg10: memref<8x1024xf32, #tpu.memory_space<vmem>>, %arg11: memref<8x1024xf32, #tpu.memory_space<vmem>>, %arg12: memref<2x1024xi32, #tpu.memory_space<vmem>>) attributes {dimension_semantics = [#tpu.dimension_semantics<core_parallel>, #tpu.dimension_semantics<subcore_parallel>], iteration_bounds = array<i64: 2, 16>, scalar_prefetch = 0 : i64, scratch_operands = 4 : i64, tpu.core_type = #tpu.core_type<sc_vector_subcore>, window_params = [{transform_indices = #map}, {transform_indices = #map}, {transform_indices = #map}, {transform_indices = #map}, {transform_indices = #map}, {transform_indices = #map}, {transform_indices = #map}]} {
    %mul3A = arith.constant 2 : i32
    %mul3A_0 = arith.muli %arg1, %mul3A : i32
    %add3A = arith.addi %mul3A_0, %arg0 : i32
    %mul3A_1 = arith.constant 256 : i32
    %mul3A_2 = arith.muli %add3A, %mul3A_1 : i32
    %mul3A_3 = arith.constant 4 : i32
    %mul3A_4 = arith.muli %mul3A_2, %mul3A_3 : i32
    %run_scoped3A = arith.constant 0 : i32
    "tpu.region"() ({
      %run_scoped3A_13 = tpu.sem_alloc : memref<!tpu.dma_semaphore, #tpu.memory_space<semaphore_mem>>
      %dma_start3A = arith.constant 0 : i32
      %dma_start3A_14 = arith.constant 0 : i32
      %dma_start3A_15 = tpu.memref_slice %arg9[%run_scoped3A, %dma_start3A, %dma_start3A_14] : memref<4x8x256xf32, #tpu.memory_space<vmem>> -> memref<1x8x256xf32, #tpu.memory_space<vmem>>
      %dma_start3A_16 = tpu.memref_squeeze %dma_start3A_15 : memref<1x8x256xf32, #tpu.memory_space<vmem>> -> memref<8x256xf32, #tpu.memory_space<vmem>>
      %dma_start3A_17 = arith.constant 0 : i32
      %dma_start3A_18 = tpu.memref_slice %arg2[%dma_start3A_17, %mul3A_2] : memref<8x8192xf32, #tpu.memory_space<hbm>> -> memref<8x256xf32, #tpu.memory_space<hbm>>
      %dma_start3A_19 = arith.constant 0 : i32
      %dma_start3A_20 = arith.constant 0 : i32
      %dma_start3A_21 = tpu.memref_slice %arg9[%run_scoped3A, %dma_start3A_19, %dma_start3A_20] : memref<4x8x256xf32, #tpu.memory_space<vmem>> -> memref<1x8x256xf32, #tpu.memory_space<vmem>>
      %dma_start3A_22 = tpu.memref_squeeze %dma_start3A_21 : memref<1x8x256xf32, #tpu.memory_space<vmem>> -> memref<8x256xf32, #tpu.memory_space<vmem>>
      %dma_start3A_23 = arith.constant 0 : i32
      %dma_start3A_24 = tpu.memref_slice %arg2[%dma_start3A_23, %mul3A_2] : memref<8x8192xf32, #tpu.memory_space<hbm>> -> memref<8x256xf32, #tpu.memory_space<hbm>>
      tpu.enqueue_dma source(%dma_start3A_24 : memref<8x256xf32, #tpu.memory_space<hbm>>) target(%dma_start3A_22 : memref<8x256xf32, #tpu.memory_space<vmem>>) target_semaphore(%run_scoped3A_13 : memref<!tpu.dma_semaphore, #tpu.memory_space<semaphore_mem>>)
      %dma_wait3A = arith.constant 0 : i32
      %dma_wait3A_25 = arith.constant 0 : i32
      %dma_wait3A_26 = tpu.memref_slice %arg9[%run_scoped3A, %dma_wait3A, %dma_wait3A_25] : memref<4x8x256xf32, #tpu.memory_space<vmem>> -> memref<1x8x256xf32, #tpu.memory_space<vmem>>
      %dma_wait3A_27 = tpu.memref_squeeze %dma_wait3A_26 : memref<1x8x256xf32, #tpu.memory_space<vmem>> -> memref<8x256xf32, #tpu.memory_space<vmem>>
      %dma_wait3A_28 = arith.constant 0 : i32
      %dma_wait3A_29 = tpu.memref_slice %arg2[%dma_wait3A_28, %mul3A_2] : memref<8x8192xf32, #tpu.memory_space<hbm>> -> memref<8x256xf32, #tpu.memory_space<hbm>>
      %dma_wait3A_30 = arith.constant 0 : i32
      %dma_wait3A_31 = arith.constant 0 : i32
      %dma_wait3A_32 = tpu.memref_slice %arg9[%run_scoped3A, %dma_wait3A_30, %dma_wait3A_31] : memref<4x8x256xf32, #tpu.memory_space<vmem>> -> memref<1x8x256xf32, #tpu.memory_space<vmem>>
      %dma_wait3A_33 = tpu.memref_squeeze %dma_wait3A_32 : memref<1x8x256xf32, #tpu.memory_space<vmem>> -> memref<8x256xf32, #tpu.memory_space<vmem>>
      %dma_wait3A_34 = arith.constant 0 : i32
      %dma_wait3A_35 = tpu.memref_slice %arg2[%dma_wait3A_34, %mul3A_2] : memref<8x8192xf32, #tpu.memory_space<hbm>> -> memref<8x256xf32, #tpu.memory_space<hbm>>
      tpu.wait_dma2 semaphore(%run_scoped3A_13 : memref<!tpu.dma_semaphore, #tpu.memory_space<semaphore_mem>>) src(%dma_wait3A_35 : memref<8x256xf32, #tpu.memory_space<hbm>>) dst(%dma_wait3A_33 : memref<8x256xf32, #tpu.memory_space<vmem>>)
      tpu.yield
    }) : () -> ()
    %run_scoped3A_5 = arith.constant 1 : i32
    "tpu.region"() ({
      %run_scoped3A_13 = tpu.sem_alloc : memref<!tpu.dma_semaphore, #tpu.memory_space<semaphore_mem>>
      %dma_start3A = arith.constant 0 : i32
      %dma_start3A_14 = arith.constant 0 : i32
      %dma_start3A_15 = tpu.memref_slice %arg9[%run_scoped3A_5, %dma_start3A, %dma_start3A_14] : memref<4x8x256xf32, #tpu.memory_space<vmem>> -> memref<1x8x256xf32, #tpu.memory_space<vmem>>
      %dma_start3A_16 = tpu.memref_squeeze %dma_start3A_15 : memref<1x8x256xf32, #tpu.memory_space<vmem>> -> memref<8x256xf32, #tpu.memory_space<vmem>>
      %dma_start3A_17 = arith.constant 0 : i32
      %dma_start3A_18 = tpu.memref_slice %arg3[%dma_start3A_17, %mul3A_2] : memref<8x8192xf32, #tpu.memory_space<hbm>> -> memref<8x256xf32, #tpu.memory_space<hbm>>
      %dma_start3A_19 = arith.constant 0 : i32
      %dma_start3A_20 = arith.constant 0 : i32
      %dma_start3A_21 = tpu.memref_slice %arg9[%run_scoped3A_5, %dma_start3A_19, %dma_start3A_20] : memref<4x8x256xf32, #tpu.memory_space<vmem>> -> memref<1x8x256xf32, #tpu.memory_space<vmem>>
      %dma_start3A_22 = tpu.memref_squeeze %dma_start3A_21 : memref<1x8x256xf32, #tpu.memory_space<vmem>> -> memref<8x256xf32, #tpu.memory_space<vmem>>
      %dma_start3A_23 = arith.constant 0 : i32
      %dma_start3A_24 = tpu.memref_slice %arg3[%dma_start3A_23, %mul3A_2] : memref<8x8192xf32, #tpu.memory_space<hbm>> -> memref<8x256xf32, #tpu.memory_space<hbm>>
      tpu.enqueue_dma source(%dma_start3A_24 : memref<8x256xf32, #tpu.memory_space<hbm>>) target(%dma_start3A_22 : memref<8x256xf32, #tpu.memory_space<vmem>>) target_semaphore(%run_scoped3A_13 : memref<!tpu.dma_semaphore, #tpu.memory_space<semaphore_mem>>)
      %dma_wait3A = arith.constant 0 : i32
      %dma_wait3A_25 = arith.constant 0 : i32
      %dma_wait3A_26 = tpu.memref_slice %arg9[%run_scoped3A_5, %dma_wait3A, %dma_wait3A_25] : memref<4x8x256xf32, #tpu.memory_space<vmem>> -> memref<1x8x256xf32, #tpu.memory_space<vmem>>
      %dma_wait3A_27 = tpu.memref_squeeze %dma_wait3A_26 : memref<1x8x256xf32, #tpu.memory_space<vmem>> -> memref<8x256xf32, #tpu.memory_space<vmem>>
      %dma_wait3A_28 = arith.constant 0 : i32
      %dma_wait3A_29 = tpu.memref_slice %arg3[%dma_wait3A_28, %mul3A_2] : memref<8x8192xf32, #tpu.memory_space<hbm>> -> memref<8x256xf32, #tpu.memory_space<hbm>>
      %dma_wait3A_30 = arith.constant 0 : i32
      %dma_wait3A_31 = arith.constant 0 : i32
      %dma_wait3A_32 = tpu.memref_slice %arg9[%run_scoped3A_5, %dma_wait3A_30, %dma_wait3A_31] : memref<4x8x256xf32, #tpu.memory_space<vmem>> -> memref<1x8x256xf32, #tpu.memory_space<vmem>>
      %dma_wait3A_33 = tpu.memref_squeeze %dma_wait3A_32 : memref<1x8x256xf32, #tpu.memory_space<vmem>> -> memref<8x256xf32, #tpu.memory_space<vmem>>
      %dma_wait3A_34 = arith.constant 0 : i32
      %dma_wait3A_35 = tpu.memref_slice %arg3[%dma_wait3A_34, %mul3A_2] : memref<8x8192xf32, #tpu.memory_space<hbm>> -> memref<8x256xf32, #tpu.memory_space<hbm>>
      tpu.wait_dma2 semaphore(%run_scoped3A_13 : memref<!tpu.dma_semaphore, #tpu.memory_space<semaphore_mem>>) src(%dma_wait3A_35 : memref<8x256xf32, #tpu.memory_space<hbm>>) dst(%dma_wait3A_33 : memref<8x256xf32, #tpu.memory_space<vmem>>)
      tpu.yield
    }) : () -> ()
    %run_scoped3A_6 = arith.constant 2 : i32
    "tpu.region"() ({
      %run_scoped3A_13 = tpu.sem_alloc : memref<!tpu.dma_semaphore, #tpu.memory_space<semaphore_mem>>
      %dma_start3A = arith.constant 0 : i32
      %dma_start3A_14 = arith.constant 0 : i32
      %dma_start3A_15 = tpu.memref_slice %arg9[%run_scoped3A_6, %dma_start3A, %dma_start3A_14] : memref<4x8x256xf32, #tpu.memory_space<vmem>> -> memref<1x8x256xf32, #tpu.memory_space<vmem>>
      %dma_start3A_16 = tpu.memref_squeeze %dma_start3A_15 : memref<1x8x256xf32, #tpu.memory_space<vmem>> -> memref<8x256xf32, #tpu.memory_space<vmem>>
      %dma_start3A_17 = arith.constant 0 : i32
      %dma_start3A_18 = tpu.memref_slice %arg4[%dma_start3A_17, %mul3A_2] : memref<8x8192xf32, #tpu.memory_space<hbm>> -> memref<8x256xf32, #tpu.memory_space<hbm>>
      %dma_start3A_19 = arith.constant 0 : i32
      %dma_start3A_20 = arith.constant 0 : i32
      %dma_start3A_21 = tpu.memref_slice %arg9[%run_scoped3A_6, %dma_start3A_19, %dma_start3A_20] : memref<4x8x256xf32, #tpu.memory_space<vmem>> -> memref<1x8x256xf32, #tpu.memory_space<vmem>>
      %dma_start3A_22 = tpu.memref_squeeze %dma_start3A_21 : memref<1x8x256xf32, #tpu.memory_space<vmem>> -> memref<8x256xf32, #tpu.memory_space<vmem>>
      %dma_start3A_23 = arith.constant 0 : i32
      %dma_start3A_24 = tpu.memref_slice %arg4[%dma_start3A_23, %mul3A_2] : memref<8x8192xf32, #tpu.memory_space<hbm>> -> memref<8x256xf32, #tpu.memory_space<hbm>>
      tpu.enqueue_dma source(%dma_start3A_24 : memref<8x256xf32, #tpu.memory_space<hbm>>) target(%dma_start3A_22 : memref<8x256xf32, #tpu.memory_space<vmem>>) target_semaphore(%run_scoped3A_13 : memref<!tpu.dma_semaphore, #tpu.memory_space<semaphore_mem>>)
      %dma_wait3A = arith.constant 0 : i32
      %dma_wait3A_25 = arith.constant 0 : i32
      %dma_wait3A_26 = tpu.memref_slice %arg9[%run_scoped3A_6, %dma_wait3A, %dma_wait3A_25] : memref<4x8x256xf32, #tpu.memory_space<vmem>> -> memref<1x8x256xf32, #tpu.memory_space<vmem>>
      %dma_wait3A_27 = tpu.memref_squeeze %dma_wait3A_26 : memref<1x8x256xf32, #tpu.memory_space<vmem>> -> memref<8x256xf32, #tpu.memory_space<vmem>>
      %dma_wait3A_28 = arith.constant 0 : i32
      %dma_wait3A_29 = tpu.memref_slice %arg4[%dma_wait3A_28, %mul3A_2] : memref<8x8192xf32, #tpu.memory_space<hbm>> -> memref<8x256xf32, #tpu.memory_space<hbm>>
      %dma_wait3A_30 = arith.constant 0 : i32
      %dma_wait3A_31 = arith.constant 0 : i32
      %dma_wait3A_32 = tpu.memref_slice %arg9[%run_scoped3A_6, %dma_wait3A_30, %dma_wait3A_31] : memref<4x8x256xf32, #tpu.memory_space<vmem>> -> memref<1x8x256xf32, #tpu.memory_space<vmem>>
      %dma_wait3A_33 = tpu.memref_squeeze %dma_wait3A_32 : memref<1x8x256xf32, #tpu.memory_space<vmem>> -> memref<8x256xf32, #tpu.memory_space<vmem>>
      %dma_wait3A_34 = arith.constant 0 : i32
      %dma_wait3A_35 = tpu.memref_slice %arg4[%dma_wait3A_34, %mul3A_2] : memref<8x8192xf32, #tpu.memory_space<hbm>> -> memref<8x256xf32, #tpu.memory_space<hbm>>
      tpu.wait_dma2 semaphore(%run_scoped3A_13 : memref<!tpu.dma_semaphore, #tpu.memory_space<semaphore_mem>>) src(%dma_wait3A_35 : memref<8x256xf32, #tpu.memory_space<hbm>>) dst(%dma_wait3A_33 : memref<8x256xf32, #tpu.memory_space<vmem>>)
      tpu.yield
    }) : () -> ()
    %run_scoped3A_7 = arith.constant 3 : i32
    "tpu.region"() ({
      %run_scoped3A_13 = tpu.sem_alloc : memref<!tpu.dma_semaphore, #tpu.memory_space<semaphore_mem>>
      %dma_start3A = arith.constant 0 : i32
      %dma_start3A_14 = arith.constant 0 : i32
      %dma_start3A_15 = tpu.memref_slice %arg9[%run_scoped3A_7, %dma_start3A, %dma_start3A_14] : memref<4x8x256xf32, #tpu.memory_space<vmem>> -> memref<1x8x256xf32, #tpu.memory_space<vmem>>
      %dma_start3A_16 = tpu.memref_squeeze %dma_start3A_15 : memref<1x8x256xf32, #tpu.memory_space<vmem>> -> memref<8x256xf32, #tpu.memory_space<vmem>>
      %dma_start3A_17 = arith.constant 0 : i32
      %dma_start3A_18 = tpu.memref_slice %arg5[%dma_start3A_17, %mul3A_2] : memref<8x8192xf32, #tpu.memory_space<hbm>> -> memref<8x256xf32, #tpu.memory_space<hbm>>
      %dma_start3A_19 = arith.constant 0 : i32
      %dma_start3A_20 = arith.constant 0 : i32
      %dma_start3A_21 = tpu.memref_slice %arg9[%run_scoped3A_7, %dma_start3A_19, %dma_start3A_20] : memref<4x8x256xf32, #tpu.memory_space<vmem>> -> memref<1x8x256xf32, #tpu.memory_space<vmem>>
      %dma_start3A_22 = tpu.memref_squeeze %dma_start3A_21 : memref<1x8x256xf32, #tpu.memory_space<vmem>> -> memref<8x256xf32, #tpu.memory_space<vmem>>
      %dma_start3A_23 = arith.constant 0 : i32
      %dma_start3A_24 = tpu.memref_slice %arg5[%dma_start3A_23, %mul3A_2] : memref<8x8192xf32, #tpu.memory_space<hbm>> -> memref<8x256xf32, #tpu.memory_space<hbm>>
      tpu.enqueue_dma source(%dma_start3A_24 : memref<8x256xf32, #tpu.memory_space<hbm>>) target(%dma_start3A_22 : memref<8x256xf32, #tpu.memory_space<vmem>>) target_semaphore(%run_scoped3A_13 : memref<!tpu.dma_semaphore, #tpu.memory_space<semaphore_mem>>)
      %dma_wait3A = arith.constant 0 : i32
      %dma_wait3A_25 = arith.constant 0 : i32
      %dma_wait3A_26 = tpu.memref_slice %arg9[%run_scoped3A_7, %dma_wait3A, %dma_wait3A_25] : memref<4x8x256xf32, #tpu.memory_space<vmem>> -> memref<1x8x256xf32, #tpu.memory_space<vmem>>
      %dma_wait3A_27 = tpu.memref_squeeze %dma_wait3A_26 : memref<1x8x256xf32, #tpu.memory_space<vmem>> -> memref<8x256xf32, #tpu.memory_space<vmem>>
      %dma_wait3A_28 = arith.constant 0 : i32
      %dma_wait3A_29 = tpu.memref_slice %arg5[%dma_wait3A_28, %mul3A_2] : memref<8x8192xf32, #tpu.memory_space<hbm>> -> memref<8x256xf32, #tpu.memory_space<hbm>>
      %dma_wait3A_30 = arith.constant 0 : i32
      %dma_wait3A_31 = arith.constant 0 : i32
      %dma_wait3A_32 = tpu.memref_slice %arg9[%run_scoped3A_7, %dma_wait3A_30, %dma_wait3A_31] : memref<4x8x256xf32, #tpu.memory_space<vmem>> -> memref<1x8x256xf32, #tpu.memory_space<vmem>>
      %dma_wait3A_33 = tpu.memref_squeeze %dma_wait3A_32 : memref<1x8x256xf32, #tpu.memory_space<vmem>> -> memref<8x256xf32, #tpu.memory_space<vmem>>
      %dma_wait3A_34 = arith.constant 0 : i32
      %dma_wait3A_35 = tpu.memref_slice %arg5[%dma_wait3A_34, %mul3A_2] : memref<8x8192xf32, #tpu.memory_space<hbm>> -> memref<8x256xf32, #tpu.memory_space<hbm>>
      tpu.wait_dma2 semaphore(%run_scoped3A_13 : memref<!tpu.dma_semaphore, #tpu.memory_space<semaphore_mem>>) src(%dma_wait3A_35 : memref<8x256xf32, #tpu.memory_space<hbm>>) dst(%dma_wait3A_33 : memref<8x256xf32, #tpu.memory_space<vmem>>)
      tpu.yield
    }) : () -> ()
    %iota3A = tpu.iota {dimensions = array<i32: 0>} : vector<16xi32>
    %scan3A = arith.constant 0 : i32
    %scan3A_8 = arith.constant 0 : i32
    %scan3A_9 = arith.constant 16 : i32
    %scan3A_10 = arith.addi %scan3A_8, %scan3A_9 : i32
    %scan3A_11 = arith.constant 1 : i32
    scf.for %scan3A_13 = %scan3A_8 to %scan3A_10 step %scan3A_11  : i32 {
      %mul3A_14 = arith.constant 16 : i32
      %mul3A_15 = arith.muli %scan3A_13, %mul3A_14 : i32
      %get3A = arith.constant 0 : i32
      %get3A_16 = arith.constant 0 : i32
      %get3A_17 = arith.index_cast %get3A : i32 to index
      %get3A_18 = arith.index_cast %get3A_16 : i32 to index
      %get3A_19 = arith.index_cast %mul3A_15 : i32 to index
      %get3A_20 = tpu.vector_load %arg9[%get3A_17, %get3A_18, %get3A_19] {strides = array<i32>} : memref<4x8x256xf32, #tpu.memory_space<vmem>>, vector<16xf32>,
      %get3A_21 = arith.constant 0 : i32
      %get3A_22 = arith.constant 1 : i32
      %get3A_23 = arith.index_cast %get3A_21 : i32 to index
      %get3A_24 = arith.index_cast %get3A_22 : i32 to index
      %get3A_25 = arith.index_cast %mul3A_15 : i32 to index
      %get3A_26 = tpu.vector_load %arg9[%get3A_23, %get3A_24, %get3A_25] {strides = array<i32>} : memref<4x8x256xf32, #tpu.memory_space<vmem>>, vector<16xf32>,
      %get3A_27 = arith.constant 0 : i32
      %get3A_28 = arith.constant 2 : i32
      %get3A_29 = arith.index_cast %get3A_27 : i32 to index
      %get3A_30 = arith.index_cast %get3A_28 : i32 to index
      %get3A_31 = arith.index_cast %mul3A_15 : i32 to index
      %get3A_32 = tpu.vector_load %arg9[%get3A_29, %get3A_30, %get3A_31] {strides = array<i32>} : memref<4x8x256xf32, #tpu.memory_space<vmem>>, vector<16xf32>,
      %get3A_33 = arith.constant 0 : i32
      %get3A_34 = arith.constant 3 : i32
      %get3A_35 = arith.index_cast %get3A_33 : i32 to index
      %get3A_36 = arith.index_cast %get3A_34 : i32 to index
      %get3A_37 = arith.index_cast %mul3A_15 : i32 to index
      %get3A_38 = tpu.vector_load %arg9[%get3A_35, %get3A_36, %get3A_37] {strides = array<i32>} : memref<4x8x256xf32, #tpu.memory_space<vmem>>, vector<16xf32>,
      %get3A_39 = arith.constant 0 : i32
      %get3A_40 = arith.constant 4 : i32
      %get3A_41 = arith.index_cast %get3A_39 : i32 to index
      %get3A_42 = arith.index_cast %get3A_40 : i32 to index
      %get3A_43 = arith.index_cast %mul3A_15 : i32 to index
      %get3A_44 = tpu.vector_load %arg9[%get3A_41, %get3A_42, %get3A_43] {strides = array<i32>} : memref<4x8x256xf32, #tpu.memory_space<vmem>>, vector<16xf32>,
      %get3A_45 = arith.constant 0 : i32
      %get3A_46 = arith.constant 5 : i32
      %get3A_47 = arith.index_cast %get3A_45 : i32 to index
      %get3A_48 = arith.index_cast %get3A_46 : i32 to index
      %get3A_49 = arith.index_cast %mul3A_15 : i32 to index
      %get3A_50 = tpu.vector_load %arg9[%get3A_47, %get3A_48, %get3A_49] {strides = array<i32>} : memref<4x8x256xf32, #tpu.memory_space<vmem>>, vector<16xf32>,
      %get3A_51 = arith.constant 0 : i32
      %get3A_52 = arith.constant 6 : i32
      %get3A_53 = arith.index_cast %get3A_51 : i32 to index
      %get3A_54 = arith.index_cast %get3A_52 : i32 to index
      %get3A_55 = arith.index_cast %mul3A_15 : i32 to index
      %get3A_56 = tpu.vector_load %arg9[%get3A_53, %get3A_54, %get3A_55] {strides = array<i32>} : memref<4x8x256xf32, #tpu.memory_space<vmem>>, vector<16xf32>,
      %get3A_57 = arith.constant 0 : i32
      %get3A_58 = arith.constant 7 : i32
      %get3A_59 = arith.index_cast %get3A_57 : i32 to index
      %get3A_60 = arith.index_cast %get3A_58 : i32 to index
      %get3A_61 = arith.index_cast %mul3A_15 : i32 to index
      %get3A_62 = tpu.vector_load %arg9[%get3A_59, %get3A_60, %get3A_61] {strides = array<i32>} : memref<4x8x256xf32, #tpu.memory_space<vmem>>, vector<16xf32>,
      %broadcast_in_dim3A = arith.constant 0 : i32
      %broadcast_in_dim3A_63 = vector.broadcast %broadcast_in_dim3A : i32 to vector<16xi32>
      %gt3A = arith.cmpf ogt, %get3A_26, %get3A_20 : vector<16xf32>
      %select_n3A = arith.select %gt3A, %get3A_26, %get3A_20 : vector<16xi1>, vector<16xf32>
      %jit3A = arith.constant 1 : i32
      %broadcast_in_dim3A_64 = vector.broadcast %jit3A : i32 to vector<16xi32>
      %select_n3A_65 = arith.select %gt3A, %broadcast_in_dim3A_64, %broadcast_in_dim3A_63 : vector<16xi1>, vector<16xi32>
      %gt3A_66 = arith.cmpf ogt, %get3A_32, %select_n3A : vector<16xf32>
      %select_n3A_67 = arith.select %gt3A_66, %get3A_32, %select_n3A : vector<16xi1>, vector<16xf32>
      %jit3A_68 = arith.constant 2 : i32
      %broadcast_in_dim3A_69 = vector.broadcast %jit3A_68 : i32 to vector<16xi32>
      %select_n3A_70 = arith.select %gt3A_66, %broadcast_in_dim3A_69, %select_n3A_65 : vector<16xi1>, vector<16xi32>
      %gt3A_71 = arith.cmpf ogt, %get3A_38, %select_n3A_67 : vector<16xf32>
      %select_n3A_72 = arith.select %gt3A_71, %get3A_38, %select_n3A_67 : vector<16xi1>, vector<16xf32>
      %jit3A_73 = arith.constant 3 : i32
      %broadcast_in_dim3A_74 = vector.broadcast %jit3A_73 : i32 to vector<16xi32>
      %select_n3A_75 = arith.select %gt3A_71, %broadcast_in_dim3A_74, %select_n3A_70 : vector<16xi1>, vector<16xi32>
      %gt3A_76 = arith.cmpf ogt, %get3A_44, %select_n3A_72 : vector<16xf32>
      %select_n3A_77 = arith.select %gt3A_76, %get3A_44, %select_n3A_72 : vector<16xi1>, vector<16xf32>
      %jit3A_78 = arith.constant 4 : i32
      %broadcast_in_dim3A_79 = vector.broadcast %jit3A_78 : i32 to vector<16xi32>
      %select_n3A_80 = arith.select %gt3A_76, %broadcast_in_dim3A_79, %select_n3A_75 : vector<16xi1>, vector<16xi32>
      %gt3A_81 = arith.cmpf ogt, %get3A_50, %select_n3A_77 : vector<16xf32>
      %select_n3A_82 = arith.select %gt3A_81, %get3A_50, %select_n3A_77 : vector<16xi1>, vector<16xf32>
      %jit3A_83 = arith.constant 5 : i32
      %broadcast_in_dim3A_84 = vector.broadcast %jit3A_83 : i32 to vector<16xi32>
      %select_n3A_85 = arith.select %gt3A_81, %broadcast_in_dim3A_84, %select_n3A_80 : vector<16xi1>, vector<16xi32>
      %gt3A_86 = arith.cmpf ogt, %get3A_56, %select_n3A_82 : vector<16xf32>
      %select_n3A_87 = arith.select %gt3A_86, %get3A_56, %select_n3A_82 : vector<16xi1>, vector<16xf32>
      %jit3A_88 = arith.constant 6 : i32
      %broadcast_in_dim3A_89 = vector.broadcast %jit3A_88 : i32 to vector<16xi32>
      %select_n3A_90 = arith.select %gt3A_86, %broadcast_in_dim3A_89, %select_n3A_85 : vector<16xi1>, vector<16xi32>
      %gt3A_91 = arith.cmpf ogt, %get3A_62, %select_n3A_87 : vector<16xf32>
      %select_n3A_92 = arith.select %gt3A_91, %get3A_62, %select_n3A_87 : vector<16xi1>, vector<16xf32>
      %jit3A_93 = arith.constant 7 : i32
      %broadcast_in_dim3A_94 = vector.broadcast %jit3A_93 : i32 to vector<16xi32>
      %select_n3A_95 = arith.select %gt3A_91, %broadcast_in_dim3A_94, %select_n3A_90 : vector<16xi1>, vector<16xi32>
      %broadcast_in_dim3A_96 = arith.constant 0xFF800000 : f32
      %broadcast_in_dim3A_97 = vector.broadcast %broadcast_in_dim3A_96 : f32 to vector<16xf32>
      %eq3A = arith.constant 0 : i32
      %eq3A_98 = vector.broadcast %eq3A : i32 to vector<16xi32>
      %eq3A_99 = arith.cmpi eq, %select_n3A_95, %eq3A_98 : vector<16xi32>
      %select_n3A_100 = arith.select %eq3A_99, %broadcast_in_dim3A_97, %get3A_20 : vector<16xi1>, vector<16xf32>
      %broadcast_in_dim3A_101 = arith.constant 0 : i32
      %broadcast_in_dim3A_102 = vector.broadcast %broadcast_in_dim3A_101 : i32 to vector<16xi32>
      %eq3A_103 = arith.constant 1 : i32
      %eq3A_104 = vector.broadcast %eq3A_103 : i32 to vector<16xi32>
      %eq3A_105 = arith.cmpi eq, %select_n3A_95, %eq3A_104 : vector<16xi32>
      %select_n3A_106 = arith.select %eq3A_105, %broadcast_in_dim3A_97, %get3A_26 : vector<16xi1>, vector<16xf32>
      %gt3A_107 = arith.cmpf ogt, %select_n3A_106, %select_n3A_100 : vector<16xf32>
      %select_n3A_108 = arith.select %gt3A_107, %select_n3A_106, %select_n3A_100 : vector<16xi1>, vector<16xf32>
      %jit3A_109 = arith.constant 1 : i32
      %broadcast_in_dim3A_110 = vector.broadcast %jit3A_109 : i32 to vector<16xi32>
      %select_n3A_111 = arith.select %gt3A_107, %broadcast_in_dim3A_110, %broadcast_in_dim3A_102 : vector<16xi1>, vector<16xi32>
      %eq3A_112 = arith.constant 2 : i32
      %eq3A_113 = vector.broadcast %eq3A_112 : i32 to vector<16xi32>
      %eq3A_114 = arith.cmpi eq, %select_n3A_95, %eq3A_113 : vector<16xi32>
      %select_n3A_115 = arith.select %eq3A_114, %broadcast_in_dim3A_97, %get3A_32 : vector<16xi1>, vector<16xf32>
      %gt3A_116 = arith.cmpf ogt, %select_n3A_115, %select_n3A_108 : vector<16xf32>
      %select_n3A_117 = arith.select %gt3A_116, %select_n3A_115, %select_n3A_108 : vector<16xi1>, vector<16xf32>
      %jit3A_118 = arith.constant 2 : i32
      %broadcast_in_dim3A_119 = vector.broadcast %jit3A_118 : i32 to vector<16xi32>
      %select_n3A_120 = arith.select %gt3A_116, %broadcast_in_dim3A_119, %select_n3A_111 : vector<16xi1>, vector<16xi32>
      %eq3A_121 = arith.constant 3 : i32
      %eq3A_122 = vector.broadcast %eq3A_121 : i32 to vector<16xi32>
      %eq3A_123 = arith.cmpi eq, %select_n3A_95, %eq3A_122 : vector<16xi32>
      %select_n3A_124 = arith.select %eq3A_123, %broadcast_in_dim3A_97, %get3A_38 : vector<16xi1>, vector<16xf32>
      %gt3A_125 = arith.cmpf ogt, %select_n3A_124, %select_n3A_117 : vector<16xf32>
      %select_n3A_126 = arith.select %gt3A_125, %select_n3A_124, %select_n3A_117 : vector<16xi1>, vector<16xf32>
      %jit3A_127 = arith.constant 3 : i32
      %broadcast_in_dim3A_128 = vector.broadcast %jit3A_127 : i32 to vector<16xi32>
      %select_n3A_129 = arith.select %gt3A_125, %broadcast_in_dim3A_128, %select_n3A_120 : vector<16xi1>, vector<16xi32>
      %eq3A_130 = arith.constant 4 : i32
      %eq3A_131 = vector.broadcast %eq3A_130 : i32 to vector<16xi32>
      %eq3A_132 = arith.cmpi eq, %select_n3A_95, %eq3A_131 : vector<16xi32>
      %select_n3A_133 = arith.select %eq3A_132, %broadcast_in_dim3A_97, %get3A_44 : vector<16xi1>, vector<16xf32>
      %gt3A_134 = arith.cmpf ogt, %select_n3A_133, %select_n3A_126 : vector<16xf32>
      %select_n3A_135 = arith.select %gt3A_134, %select_n3A_133, %select_n3A_126 : vector<16xi1>, vector<16xf32>
      %jit3A_136 = arith.constant 4 : i32
      %broadcast_in_dim3A_137 = vector.broadcast %jit3A_136 : i32 to vector<16xi32>
      %select_n3A_138 = arith.select %gt3A_134, %broadcast_in_dim3A_137, %select_n3A_129 : vector<16xi1>, vector<16xi32>
      %eq3A_139 = arith.constant 5 : i32
      %eq3A_140 = vector.broadcast %eq3A_139 : i32 to vector<16xi32>
      %eq3A_141 = arith.cmpi eq, %select_n3A_95, %eq3A_140 : vector<16xi32>
      %select_n3A_142 = arith.select %eq3A_141, %broadcast_in_dim3A_97, %get3A_50 : vector<16xi1>, vector<16xf32>
      %gt3A_143 = arith.cmpf ogt, %select_n3A_142, %select_n3A_135 : vector<16xf32>
      %select_n3A_144 = arith.select %gt3A_143, %select_n3A_142, %select_n3A_135 : vector<16xi1>, vector<16xf32>
      %jit3A_145 = arith.constant 5 : i32
      %broadcast_in_dim3A_146 = vector.broadcast %jit3A_145 : i32 to vector<16xi32>
      %select_n3A_147 = arith.select %gt3A_143, %broadcast_in_dim3A_146, %select_n3A_138 : vector<16xi1>, vector<16xi32>
      %eq3A_148 = arith.constant 6 : i32
      %eq3A_149 = vector.broadcast %eq3A_148 : i32 to vector<16xi32>
      %eq3A_150 = arith.cmpi eq, %select_n3A_95, %eq3A_149 : vector<16xi32>
      %select_n3A_151 = arith.select %eq3A_150, %broadcast_in_dim3A_97, %get3A_56 : vector<16xi1>, vector<16xf32>
      %gt3A_152 = arith.cmpf ogt, %select_n3A_151, %select_n3A_144 : vector<16xf32>
      %select_n3A_153 = arith.select %gt3A_152, %select_n3A_151, %select_n3A_144 : vector<16xi1>, vector<16xf32>
      %jit3A_154 = arith.constant 6 : i32
      %broadcast_in_dim3A_155 = vector.broadcast %jit3A_154 : i32 to vector<16xi32>
      %select_n3A_156 = arith.select %gt3A_152, %broadcast_in_dim3A_155, %select_n3A_147 : vector<16xi1>, vector<16xi32>
      %eq3A_157 = arith.constant 7 : i32
      %eq3A_158 = vector.broadcast %eq3A_157 : i32 to vector<16xi32>
      %eq3A_159 = arith.cmpi eq, %select_n3A_95, %eq3A_158 : vector<16xi32>
      %select_n3A_160 = arith.select %eq3A_159, %broadcast_in_dim3A_97, %get3A_62 : vector<16xi1>, vector<16xf32>
      %gt3A_161 = arith.cmpf ogt, %select_n3A_160, %select_n3A_153 : vector<16xf32>
      %select_n3A_162 = arith.select %gt3A_161, %select_n3A_160, %select_n3A_153 : vector<16xi1>, vector<16xf32>
      %jit3A_163 = arith.constant 7 : i32
      %broadcast_in_dim3A_164 = vector.broadcast %jit3A_163 : i32 to vector<16xi32>
      %select_n3A_165 = arith.select %gt3A_161, %broadcast_in_dim3A_164, %select_n3A_156 : vector<16xi1>, vector<16xi32>
      %sub3A = arith.subf %get3A_20, %select_n3A_92 : vector<16xf32>
      %exp3A = math.exp %sub3A : vector<16xf32>
      %sub3A_166 = arith.subf %get3A_26, %select_n3A_92 : vector<16xf32>
      %exp3A_167 = math.exp %sub3A_166 : vector<16xf32>
      %sub3A_168 = arith.subf %get3A_32, %select_n3A_92 : vector<16xf32>
      %exp3A_169 = math.exp %sub3A_168 : vector<16xf32>
      %sub3A_170 = arith.subf %get3A_38, %select_n3A_92 : vector<16xf32>
      %exp3A_171 = math.exp %sub3A_170 : vector<16xf32>
      %sub3A_172 = arith.subf %get3A_44, %select_n3A_92 : vector<16xf32>
      %exp3A_173 = math.exp %sub3A_172 : vector<16xf32>
      %sub3A_174 = arith.subf %get3A_50, %select_n3A_92 : vector<16xf32>
      %exp3A_175 = math.exp %sub3A_174 : vector<16xf32>
      %sub3A_176 = arith.subf %get3A_56, %select_n3A_92 : vector<16xf32>
      %exp3A_177 = math.exp %sub3A_176 : vector<16xf32>
      %sub3A_178 = arith.subf %get3A_62, %select_n3A_92 : vector<16xf32>
      %exp3A_179 = math.exp %sub3A_178 : vector<16xf32>
      %add3A_180 = arith.addf %exp3A, %exp3A_167 : vector<16xf32>
      %add3A_181 = arith.addf %add3A_180, %exp3A_169 : vector<16xf32>
      %add3A_182 = arith.addf %add3A_181, %exp3A_171 : vector<16xf32>
      %add3A_183 = arith.addf %add3A_182, %exp3A_173 : vector<16xf32>
      %add3A_184 = arith.addf %add3A_183, %exp3A_175 : vector<16xf32>
      %add3A_185 = arith.addf %add3A_184, %exp3A_177 : vector<16xf32>
      %add3A_186 = arith.addf %add3A_185, %exp3A_179 : vector<16xf32>
      %broadcast_in_dim3A_187 = arith.constant 1.000000e+00 : f32
      %broadcast_in_dim3A_188 = vector.broadcast %broadcast_in_dim3A_187 : f32 to vector<16xf32>
      %div3A = arith.divf %broadcast_in_dim3A_188, %add3A_186 : vector<16xf32>
      %add3A_189 = vector.broadcast %mul3A_15 : i32 to vector<16xi32>
      %add3A_190 = arith.addi %add3A_189, %iota3A : vector<16xi32>
      %mul3A_191 = arith.constant 4 : i32
      %mul3A_192 = vector.broadcast %mul3A_191 : i32 to vector<16xi32>
      %mul3A_193 = arith.muli %add3A_190, %mul3A_192 : vector<16xi32>
      %add3A_194 = arith.constant 0 : i32
      %add3A_195 = vector.broadcast %add3A_194 : i32 to vector<16xi32>
      %add3A_196 = arith.addi %mul3A_193, %add3A_195 : vector<16xi32>
      %broadcast_in_dim3A_197 = arith.constant 0 : i32
      %broadcast_in_dim3A_198 = vector.broadcast %broadcast_in_dim3A_197 : i32 to vector<16xi32>
      tpu.vector_store_idx %arg10[%broadcast_in_dim3A_198, %add3A_196], %get3A_20 : memref<8x1024xf32, #tpu.memory_space<vmem>>[vector<16xi32>, vector<16xi32>], vector<16xf32>,
      %mul3A_199 = arith.mulf %exp3A, %div3A : vector<16xf32>
      tpu.vector_store_idx %arg11[%broadcast_in_dim3A_198, %add3A_196], %mul3A_199 : memref<8x1024xf32, #tpu.memory_space<vmem>>[vector<16xi32>, vector<16xi32>], vector<16xf32>,
      %broadcast_in_dim3A_200 = arith.constant 1 : i32
      %broadcast_in_dim3A_201 = vector.broadcast %broadcast_in_dim3A_200 : i32 to vector<16xi32>
      tpu.vector_store_idx %arg10[%broadcast_in_dim3A_201, %add3A_196], %get3A_26 : memref<8x1024xf32, #tpu.memory_space<vmem>>[vector<16xi32>, vector<16xi32>], vector<16xf32>,
      %mul3A_202 = arith.mulf %exp3A_167, %div3A : vector<16xf32>
      tpu.vector_store_idx %arg11[%broadcast_in_dim3A_201, %add3A_196], %mul3A_202 : memref<8x1024xf32, #tpu.memory_space<vmem>>[vector<16xi32>, vector<16xi32>], vector<16xf32>,
      %broadcast_in_dim3A_203 = arith.constant 2 : i32
      %broadcast_in_dim3A_204 = vector.broadcast %broadcast_in_dim3A_203 : i32 to vector<16xi32>
      tpu.vector_store_idx %arg10[%broadcast_in_dim3A_204, %add3A_196], %get3A_32 : memref<8x1024xf32, #tpu.memory_space<vmem>>[vector<16xi32>, vector<16xi32>], vector<16xf32>,
      %mul3A_205 = arith.mulf %exp3A_169, %div3A : vector<16xf32>
      tpu.vector_store_idx %arg11[%broadcast_in_dim3A_204, %add3A_196], %mul3A_205 : memref<8x1024xf32, #tpu.memory_space<vmem>>[vector<16xi32>, vector<16xi32>], vector<16xf32>,
      %broadcast_in_dim3A_206 = arith.constant 3 : i32
      %broadcast_in_dim3A_207 = vector.broadcast %broadcast_in_dim3A_206 : i32 to vector<16xi32>
      tpu.vector_store_idx %arg10[%broadcast_in_dim3A_207, %add3A_196], %get3A_38 : memref<8x1024xf32, #tpu.memory_space<vmem>>[vector<16xi32>, vector<16xi32>], vector<16xf32>,
      %mul3A_208 = arith.mulf %exp3A_171, %div3A : vector<16xf32>
      tpu.vector_store_idx %arg11[%broadcast_in_dim3A_207, %add3A_196], %mul3A_208 : memref<8x1024xf32, #tpu.memory_space<vmem>>[vector<16xi32>, vector<16xi32>], vector<16xf32>,
      %broadcast_in_dim3A_209 = arith.constant 4 : i32
      %broadcast_in_dim3A_210 = vector.broadcast %broadcast_in_dim3A_209 : i32 to vector<16xi32>
      tpu.vector_store_idx %arg10[%broadcast_in_dim3A_210, %add3A_196], %get3A_44 : memref<8x1024xf32, #tpu.memory_space<vmem>>[vector<16xi32>, vector<16xi32>], vector<16xf32>,
      %mul3A_211 = arith.mulf %exp3A_173, %div3A : vector<16xf32>
      tpu.vector_store_idx %arg11[%broadcast_in_dim3A_210, %add3A_196], %mul3A_211 : memref<8x1024xf32, #tpu.memory_space<vmem>>[vector<16xi32>, vector<16xi32>], vector<16xf32>,
      %broadcast_in_dim3A_212 = arith.constant 5 : i32
      %broadcast_in_dim3A_213 = vector.broadcast %broadcast_in_dim3A_212 : i32 to vector<16xi32>
      tpu.vector_store_idx %arg10[%broadcast_in_dim3A_213, %add3A_196], %get3A_50 : memref<8x1024xf32, #tpu.memory_space<vmem>>[vector<16xi32>, vector<16xi32>], vector<16xf32>,
      %mul3A_214 = arith.mulf %exp3A_175, %div3A : vector<16xf32>
      tpu.vector_store_idx %arg11[%broadcast_in_dim3A_213, %add3A_196], %mul3A_214 : memref<8x1024xf32, #tpu.memory_space<vmem>>[vector<16xi32>, vector<16xi32>], vector<16xf32>,
      %broadcast_in_dim3A_215 = arith.constant 6 : i32
      %broadcast_in_dim3A_216 = vector.broadcast %broadcast_in_dim3A_215 : i32 to vector<16xi32>
      tpu.vector_store_idx %arg10[%broadcast_in_dim3A_216, %add3A_196], %get3A_56 : memref<8x1024xf32, #tpu.memory_space<vmem>>[vector<16xi32>, vector<16xi32>], vector<16xf32>,
      %mul3A_217 = arith.mulf %exp3A_177, %div3A : vector<16xf32>
      tpu.vector_store_idx %arg11[%broadcast_in_dim3A_216, %add3A_196], %mul3A_217 : memref<8x1024xf32, #tpu.memory_space<vmem>>[vector<16xi32>, vector<16xi32>], vector<16xf32>,
      %broadcast_in_dim3A_218 = arith.constant 7 : i32
      %broadcast_in_dim3A_219 = vector.broadcast %broadcast_in_dim3A_218 : i32 to vector<16xi32>
      tpu.vector_store_idx %arg10[%broadcast_in_dim3A_219, %add3A_196], %get3A_62 : memref<8x1024xf32, #tpu.memory_space<vmem>>[vector<16xi32>, vector<16xi32>], vector<16xf32>,
      %mul3A_220 = arith.mulf %exp3A_179, %div3A : vector<16xf32>
      tpu.vector_store_idx %arg11[%broadcast_in_dim3A_219, %add3A_196], %mul3A_220 : memref<8x1024xf32, #tpu.memory_space<vmem>>[vector<16xi32>, vector<16xi32>], vector<16xf32>,
      %broadcast_in_dim3A_221 = arith.constant 0 : i32
      %broadcast_in_dim3A_222 = vector.broadcast %broadcast_in_dim3A_221 : i32 to vector<16xi32>
      tpu.vector_store_idx %arg12[%broadcast_in_dim3A_222, %add3A_196], %select_n3A_95 : memref<2x1024xi32, #tpu.memory_space<vmem>>[vector<16xi32>, vector<16xi32>], vector<16xi32>,
      %broadcast_in_dim3A_223 = arith.constant 1 : i32
      %broadcast_in_dim3A_224 = vector.broadcast %broadcast_in_dim3A_223 : i32 to vector<16xi32>
      tpu.vector_store_idx %arg12[%broadcast_in_dim3A_224, %add3A_196], %select_n3A_165 : memref<2x1024xi32, #tpu.memory_space<vmem>>[vector<16xi32>, vector<16xi32>], vector<16xi32>,
      %get3A_225 = arith.constant 1 : i32
      %get3A_226 = arith.constant 0 : i32
      %get3A_227 = arith.index_cast %get3A_225 : i32 to index
      %get3A_228 = arith.index_cast %get3A_226 : i32 to index
      %get3A_229 = arith.index_cast %mul3A_15 : i32 to index
      %get3A_230 = tpu.vector_load %arg9[%get3A_227, %get3A_228, %get3A_229] {strides = array<i32>} : memref<4x8x256xf32, #tpu.memory_space<vmem>>, vector<16xf32>,
      %get3A_231 = arith.constant 1 : i32
      %get3A_232 = arith.constant 1 : i32
      %get3A_233 = arith.index_cast %get3A_231 : i32 to index
      %get3A_234 = arith.index_cast %get3A_232 : i32 to index
      %get3A_235 = arith.index_cast %mul3A_15 : i32 to index
      %get3A_236 = tpu.vector_load %arg9[%get3A_233, %get3A_234, %get3A_235] {strides = array<i32>} : memref<4x8x256xf32, #tpu.memory_space<vmem>>, vector<16xf32>,
      %get3A_237 = arith.constant 1 : i32
      %get3A_238 = arith.constant 2 : i32
      %get3A_239 = arith.index_cast %get3A_237 : i32 to index
      %get3A_240 = arith.index_cast %get3A_238 : i32 to index
      %get3A_241 = arith.index_cast %mul3A_15 : i32 to index
      %get3A_242 = tpu.vector_load %arg9[%get3A_239, %get3A_240, %get3A_241] {strides = array<i32>} : memref<4x8x256xf32, #tpu.memory_space<vmem>>, vector<16xf32>,
      %get3A_243 = arith.constant 1 : i32
      %get3A_244 = arith.constant 3 : i32
      %get3A_245 = arith.index_cast %get3A_243 : i32 to index
      %get3A_246 = arith.index_cast %get3A_244 : i32 to index
      %get3A_247 = arith.index_cast %mul3A_15 : i32 to index
      %get3A_248 = tpu.vector_load %arg9[%get3A_245, %get3A_246, %get3A_247] {strides = array<i32>} : memref<4x8x256xf32, #tpu.memory_space<vmem>>, vector<16xf32>,
      %get3A_249 = arith.constant 1 : i32
      %get3A_250 = arith.constant 4 : i32
      %get3A_251 = arith.index_cast %get3A_249 : i32 to index
      %get3A_252 = arith.index_cast %get3A_250 : i32 to index
      %get3A_253 = arith.index_cast %mul3A_15 : i32 to index
      %get3A_254 = tpu.vector_load %arg9[%get3A_251, %get3A_252, %get3A_253] {strides = array<i32>} : memref<4x8x256xf32, #tpu.memory_space<vmem>>, vector<16xf32>,
      %get3A_255 = arith.constant 1 : i32
      %get3A_256 = arith.constant 5 : i32
      %get3A_257 = arith.index_cast %get3A_255 : i32 to index
      %get3A_258 = arith.index_cast %get3A_256 : i32 to index
      %get3A_259 = arith.index_cast %mul3A_15 : i32 to index
      %get3A_260 = tpu.vector_load %arg9[%get3A_257, %get3A_258, %get3A_259] {strides = array<i32>} : memref<4x8x256xf32, #tpu.memory_space<vmem>>, vector<16xf32>,
      %get3A_261 = arith.constant 1 : i32
      %get3A_262 = arith.constant 6 : i32
      %get3A_263 = arith.index_cast %get3A_261 : i32 to index
      %get3A_264 = arith.index_cast %get3A_262 : i32 to index
      %get3A_265 = arith.index_cast %mul3A_15 : i32 to index
      %get3A_266 = tpu.vector_load %arg9[%get3A_263, %get3A_264, %get3A_265] {strides = array<i32>} : memref<4x8x256xf32, #tpu.memory_space<vmem>>, vector<16xf32>,
      %get3A_267 = arith.constant 1 : i32
      %get3A_268 = arith.constant 7 : i32
      %get3A_269 = arith.index_cast %get3A_267 : i32 to index
      %get3A_270 = arith.index_cast %get3A_268 : i32 to index
      %get3A_271 = arith.index_cast %mul3A_15 : i32 to index
      %get3A_272 = tpu.vector_load %arg9[%get3A_269, %get3A_270, %get3A_271] {strides = array<i32>} : memref<4x8x256xf32, #tpu.memory_space<vmem>>, vector<16xf32>,
      %broadcast_in_dim3A_273 = arith.constant 0 : i32
      %broadcast_in_dim3A_274 = vector.broadcast %broadcast_in_dim3A_273 : i32 to vector<16xi32>
      %gt3A_275 = arith.cmpf ogt, %get3A_236, %get3A_230 : vector<16xf32>
      %select_n3A_276 = arith.select %gt3A_275, %get3A_236, %get3A_230 : vector<16xi1>, vector<16xf32>
      %jit3A_277 = arith.constant 1 : i32
      %broadcast_in_dim3A_278 = vector.broadcast %jit3A_277 : i32 to vector<16xi32>
      %select_n3A_279 = arith.select %gt3A_275, %broadcast_in_dim3A_278, %broadcast_in_dim3A_274 : vector<16xi1>, vector<16xi32>
      %gt3A_280 = arith.cmpf ogt, %get3A_242, %select_n3A_276 : vector<16xf32>
      %select_n3A_281 = arith.select %gt3A_280, %get3A_242, %select_n3A_276 : vector<16xi1>, vector<16xf32>
      %jit3A_282 = arith.constant 2 : i32
      %broadcast_in_dim3A_283 = vector.broadcast %jit3A_282 : i32 to vector<16xi32>
      %select_n3A_284 = arith.select %gt3A_280, %broadcast_in_dim3A_283, %select_n3A_279 : vector<16xi1>, vector<16xi32>
      %gt3A_285 = arith.cmpf ogt, %get3A_248, %select_n3A_281 : vector<16xf32>
      %select_n3A_286 = arith.select %gt3A_285, %get3A_248, %select_n3A_281 : vector<16xi1>, vector<16xf32>
      %jit3A_287 = arith.constant 3 : i32
      %broadcast_in_dim3A_288 = vector.broadcast %jit3A_287 : i32 to vector<16xi32>
      %select_n3A_289 = arith.select %gt3A_285, %broadcast_in_dim3A_288, %select_n3A_284 : vector<16xi1>, vector<16xi32>
      %gt3A_290 = arith.cmpf ogt, %get3A_254, %select_n3A_286 : vector<16xf32>
      %select_n3A_291 = arith.select %gt3A_290, %get3A_254, %select_n3A_286 : vector<16xi1>, vector<16xf32>
      %jit3A_292 = arith.constant 4 : i32
      %broadcast_in_dim3A_293 = vector.broadcast %jit3A_292 : i32 to vector<16xi32>
      %select_n3A_294 = arith.select %gt3A_290, %broadcast_in_dim3A_293, %select_n3A_289 : vector<16xi1>, vector<16xi32>
      %gt3A_295 = arith.cmpf ogt, %get3A_260, %select_n3A_291 : vector<16xf32>
      %select_n3A_296 = arith.select %gt3A_295, %get3A_260, %select_n3A_291 : vector<16xi1>, vector<16xf32>
      %jit3A_297 = arith.constant 5 : i32
      %broadcast_in_dim3A_298 = vector.broadcast %jit3A_297 : i32 to vector<16xi32>
      %select_n3A_299 = arith.select %gt3A_295, %broadcast_in_dim3A_298, %select_n3A_294 : vector<16xi1>, vector<16xi32>
      %gt3A_300 = arith.cmpf ogt, %get3A_266, %select_n3A_296 : vector<16xf32>
      %select_n3A_301 = arith.select %gt3A_300, %get3A_266, %select_n3A_296 : vector<16xi1>, vector<16xf32>
      %jit3A_302 = arith.constant 6 : i32
      %broadcast_in_dim3A_303 = vector.broadcast %jit3A_302 : i32 to vector<16xi32>
      %select_n3A_304 = arith.select %gt3A_300, %broadcast_in_dim3A_303, %select_n3A_299 : vector<16xi1>, vector<16xi32>
      %gt3A_305 = arith.cmpf ogt, %get3A_272, %select_n3A_301 : vector<16xf32>
      %select_n3A_306 = arith.select %gt3A_305, %get3A_272, %select_n3A_301 : vector<16xi1>, vector<16xf32>
      %jit3A_307 = arith.constant 7 : i32
      %broadcast_in_dim3A_308 = vector.broadcast %jit3A_307 : i32 to vector<16xi32>
      %select_n3A_309 = arith.select %gt3A_305, %broadcast_in_dim3A_308, %select_n3A_304 : vector<16xi1>, vector<16xi32>
      %broadcast_in_dim3A_310 = arith.constant 0xFF800000 : f32
      %broadcast_in_dim3A_311 = vector.broadcast %broadcast_in_dim3A_310 : f32 to vector<16xf32>
      %eq3A_312 = arith.constant 0 : i32
      %eq3A_313 = vector.broadcast %eq3A_312 : i32 to vector<16xi32>
      %eq3A_314 = arith.cmpi eq, %select_n3A_309, %eq3A_313 : vector<16xi32>
      %select_n3A_315 = arith.select %eq3A_314, %broadcast_in_dim3A_311, %get3A_230 : vector<16xi1>, vector<16xf32>
      %broadcast_in_dim3A_316 = arith.constant 0 : i32
      %broadcast_in_dim3A_317 = vector.broadcast %broadcast_in_dim3A_316 : i32 to vector<16xi32>
      %eq3A_318 = arith.constant 1 : i32
      %eq3A_319 = vector.broadcast %eq3A_318 : i32 to vector<16xi32>
      %eq3A_320 = arith.cmpi eq, %select_n3A_309, %eq3A_319 : vector<16xi32>
      %select_n3A_321 = arith.select %eq3A_320, %broadcast_in_dim3A_311, %get3A_236 : vector<16xi1>, vector<16xf32>
      %gt3A_322 = arith.cmpf ogt, %select_n3A_321, %select_n3A_315 : vector<16xf32>
      %select_n3A_323 = arith.select %gt3A_322, %select_n3A_321, %select_n3A_315 : vector<16xi1>, vector<16xf32>
      %jit3A_324 = arith.constant 1 : i32
      %broadcast_in_dim3A_325 = vector.broadcast %jit3A_324 : i32 to vector<16xi32>
      %select_n3A_326 = arith.select %gt3A_322, %broadcast_in_dim3A_325, %broadcast_in_dim3A_317 : vector<16xi1>, vector<16xi32>
      %eq3A_327 = arith.constant 2 : i32
      %eq3A_328 = vector.broadcast %eq3A_327 : i32 to vector<16xi32>
      %eq3A_329 = arith.cmpi eq, %select_n3A_309, %eq3A_328 : vector<16xi32>
      %select_n3A_330 = arith.select %eq3A_329, %broadcast_in_dim3A_311, %get3A_242 : vector<16xi1>, vector<16xf32>
      %gt3A_331 = arith.cmpf ogt, %select_n3A_330, %select_n3A_323 : vector<16xf32>
      %select_n3A_332 = arith.select %gt3A_331, %select_n3A_330, %select_n3A_323 : vector<16xi1>, vector<16xf32>
      %jit3A_333 = arith.constant 2 : i32
      %broadcast_in_dim3A_334 = vector.broadcast %jit3A_333 : i32 to vector<16xi32>
      %select_n3A_335 = arith.select %gt3A_331, %broadcast_in_dim3A_334, %select_n3A_326 : vector<16xi1>, vector<16xi32>
      %eq3A_336 = arith.constant 3 : i32
      %eq3A_337 = vector.broadcast %eq3A_336 : i32 to vector<16xi32>
      %eq3A_338 = arith.cmpi eq, %select_n3A_309, %eq3A_337 : vector<16xi32>
      %select_n3A_339 = arith.select %eq3A_338, %broadcast_in_dim3A_311, %get3A_248 : vector<16xi1>, vector<16xf32>
      %gt3A_340 = arith.cmpf ogt, %select_n3A_339, %select_n3A_332 : vector<16xf32>
      %select_n3A_341 = arith.select %gt3A_340, %select_n3A_339, %select_n3A_332 : vector<16xi1>, vector<16xf32>
      %jit3A_342 = arith.constant 3 : i32
      %broadcast_in_dim3A_343 = vector.broadcast %jit3A_342 : i32 to vector<16xi32>
      %select_n3A_344 = arith.select %gt3A_340, %broadcast_in_dim3A_343, %select_n3A_335 : vector<16xi1>, vector<16xi32>
      %eq3A_345 = arith.constant 4 : i32
      %eq3A_346 = vector.broadcast %eq3A_345 : i32 to vector<16xi32>
      %eq3A_347 = arith.cmpi eq, %select_n3A_309, %eq3A_346 : vector<16xi32>
      %select_n3A_348 = arith.select %eq3A_347, %broadcast_in_dim3A_311, %get3A_254 : vector<16xi1>, vector<16xf32>
      %gt3A_349 = arith.cmpf ogt, %select_n3A_348, %select_n3A_341 : vector<16xf32>
      %select_n3A_350 = arith.select %gt3A_349, %select_n3A_348, %select_n3A_341 : vector<16xi1>, vector<16xf32>
      %jit3A_351 = arith.constant 4 : i32
      %broadcast_in_dim3A_352 = vector.broadcast %jit3A_351 : i32 to vector<16xi32>
      %select_n3A_353 = arith.select %gt3A_349, %broadcast_in_dim3A_352, %select_n3A_344 : vector<16xi1>, vector<16xi32>
      %eq3A_354 = arith.constant 5 : i32
      %eq3A_355 = vector.broadcast %eq3A_354 : i32 to vector<16xi32>
      %eq3A_356 = arith.cmpi eq, %select_n3A_309, %eq3A_355 : vector<16xi32>
      %select_n3A_357 = arith.select %eq3A_356, %broadcast_in_dim3A_311, %get3A_260 : vector<16xi1>, vector<16xf32>
      %gt3A_358 = arith.cmpf ogt, %select_n3A_357, %select_n3A_350 : vector<16xf32>
      %select_n3A_359 = arith.select %gt3A_358, %select_n3A_357, %select_n3A_350 : vector<16xi1>, vector<16xf32>
      %jit3A_360 = arith.constant 5 : i32
      %broadcast_in_dim3A_361 = vector.broadcast %jit3A_360 : i32 to vector<16xi32>
      %select_n3A_362 = arith.select %gt3A_358, %broadcast_in_dim3A_361, %select_n3A_353 : vector<16xi1>, vector<16xi32>
      %eq3A_363 = arith.constant 6 : i32
      %eq3A_364 = vector.broadcast %eq3A_363 : i32 to vector<16xi32>
      %eq3A_365 = arith.cmpi eq, %select_n3A_309, %eq3A_364 : vector<16xi32>
      %select_n3A_366 = arith.select %eq3A_365, %broadcast_in_dim3A_311, %get3A_266 : vector<16xi1>, vector<16xf32>
      %gt3A_367 = arith.cmpf ogt, %select_n3A_366, %select_n3A_359 : vector<16xf32>
      %select_n3A_368 = arith.select %gt3A_367, %select_n3A_366, %select_n3A_359 : vector<16xi1>, vector<16xf32>
      %jit3A_369 = arith.constant 6 : i32
      %broadcast_in_dim3A_370 = vector.broadcast %jit3A_369 : i32 to vector<16xi32>
      %select_n3A_371 = arith.select %gt3A_367, %broadcast_in_dim3A_370, %select_n3A_362 : vector<16xi1>, vector<16xi32>
      %eq3A_372 = arith.constant 7 : i32
      %eq3A_373 = vector.broadcast %eq3A_372 : i32 to vector<16xi32>
      %eq3A_374 = arith.cmpi eq, %select_n3A_309, %eq3A_373 : vector<16xi32>
      %select_n3A_375 = arith.select %eq3A_374, %broadcast_in_dim3A_311, %get3A_272 : vector<16xi1>, vector<16xf32>
      %gt3A_376 = arith.cmpf ogt, %select_n3A_375, %select_n3A_368 : vector<16xf32>
      %select_n3A_377 = arith.select %gt3A_376, %select_n3A_375, %select_n3A_368 : vector<16xi1>, vector<16xf32>
      %jit3A_378 = arith.constant 7 : i32
      %broadcast_in_dim3A_379 = vector.broadcast %jit3A_378 : i32 to vector<16xi32>
      %select_n3A_380 = arith.select %gt3A_376, %broadcast_in_dim3A_379, %select_n3A_371 : vector<16xi1>, vector<16xi32>
      %sub3A_381 = arith.subf %get3A_230, %select_n3A_306 : vector<16xf32>
      %exp3A_382 = math.exp %sub3A_381 : vector<16xf32>
      %sub3A_383 = arith.subf %get3A_236, %select_n3A_306 : vector<16xf32>
      %exp3A_384 = math.exp %sub3A_383 : vector<16xf32>
      %sub3A_385 = arith.subf %get3A_242, %select_n3A_306 : vector<16xf32>
      %exp3A_386 = math.exp %sub3A_385 : vector<16xf32>
      %sub3A_387 = arith.subf %get3A_248, %select_n3A_306 : vector<16xf32>
      %exp3A_388 = math.exp %sub3A_387 : vector<16xf32>
      %sub3A_389 = arith.subf %get3A_254, %select_n3A_306 : vector<16xf32>
      %exp3A_390 = math.exp %sub3A_389 : vector<16xf32>
      %sub3A_391 = arith.subf %get3A_260, %select_n3A_306 : vector<16xf32>
      %exp3A_392 = math.exp %sub3A_391 : vector<16xf32>
      %sub3A_393 = arith.subf %get3A_266, %select_n3A_306 : vector<16xf32>
      %exp3A_394 = math.exp %sub3A_393 : vector<16xf32>
      %sub3A_395 = arith.subf %get3A_272, %select_n3A_306 : vector<16xf32>
      %exp3A_396 = math.exp %sub3A_395 : vector<16xf32>
      %add3A_397 = arith.addf %exp3A_382, %exp3A_384 : vector<16xf32>
      %add3A_398 = arith.addf %add3A_397, %exp3A_386 : vector<16xf32>
      %add3A_399 = arith.addf %add3A_398, %exp3A_388 : vector<16xf32>
      %add3A_400 = arith.addf %add3A_399, %exp3A_390 : vector<16xf32>
      %add3A_401 = arith.addf %add3A_400, %exp3A_392 : vector<16xf32>
      %add3A_402 = arith.addf %add3A_401, %exp3A_394 : vector<16xf32>
      %add3A_403 = arith.addf %add3A_402, %exp3A_396 : vector<16xf32>
      %broadcast_in_dim3A_404 = arith.constant 1.000000e+00 : f32
      %broadcast_in_dim3A_405 = vector.broadcast %broadcast_in_dim3A_404 : f32 to vector<16xf32>
      %div3A_406 = arith.divf %broadcast_in_dim3A_405, %add3A_403 : vector<16xf32>
      %add3A_407 = vector.broadcast %mul3A_15 : i32 to vector<16xi32>
      %add3A_408 = arith.addi %add3A_407, %iota3A : vector<16xi32>
      %mul3A_409 = arith.constant 4 : i32
      %mul3A_410 = vector.broadcast %mul3A_409 : i32 to vector<16xi32>
      %mul3A_411 = arith.muli %add3A_408, %mul3A_410 : vector<16xi32>
      %add3A_412 = arith.constant 1 : i32
      %add3A_413 = vector.broadcast %add3A_412 : i32 to vector<16xi32>
      %add3A_414 = arith.addi %mul3A_411, %add3A_413 : vector<16xi32>
      %broadcast_in_dim3A_415 = arith.constant 0 : i32
      %broadcast_in_dim3A_416 = vector.broadcast %broadcast_in_dim3A_415 : i32 to vector<16xi32>
      tpu.vector_store_idx %arg10[%broadcast_in_dim3A_416, %add3A_414], %get3A_230 : memref<8x1024xf32, #tpu.memory_space<vmem>>[vector<16xi32>, vector<16xi32>], vector<16xf32>,
      %mul3A_417 = arith.mulf %exp3A_382, %div3A_406 : vector<16xf32>
      tpu.vector_store_idx %arg11[%broadcast_in_dim3A_416, %add3A_414], %mul3A_417 : memref<8x1024xf32, #tpu.memory_space<vmem>>[vector<16xi32>, vector<16xi32>], vector<16xf32>,
      %broadcast_in_dim3A_418 = arith.constant 1 : i32
      %broadcast_in_dim3A_419 = vector.broadcast %broadcast_in_dim3A_418 : i32 to vector<16xi32>
      tpu.vector_store_idx %arg10[%broadcast_in_dim3A_419, %add3A_414], %get3A_236 : memref<8x1024xf32, #tpu.memory_space<vmem>>[vector<16xi32>, vector<16xi32>], vector<16xf32>,
      %mul3A_420 = arith.mulf %exp3A_384, %div3A_406 : vector<16xf32>
      tpu.vector_store_idx %arg11[%broadcast_in_dim3A_419, %add3A_414], %mul3A_420 : memref<8x1024xf32, #tpu.memory_space<vmem>>[vector<16xi32>, vector<16xi32>], vector<16xf32>,
      %broadcast_in_dim3A_421 = arith.constant 2 : i32
      %broadcast_in_dim3A_422 = vector.broadcast %broadcast_in_dim3A_421 : i32 to vector<16xi32>
      tpu.vector_store_idx %arg10[%broadcast_in_dim3A_422, %add3A_414], %get3A_242 : memref<8x1024xf32, #tpu.memory_space<vmem>>[vector<16xi32>, vector<16xi32>], vector<16xf32>,
      %mul3A_423 = arith.mulf %exp3A_386, %div3A_406 : vector<16xf32>
      tpu.vector_store_idx %arg11[%broadcast_in_dim3A_422, %add3A_414], %mul3A_423 : memref<8x1024xf32, #tpu.memory_space<vmem>>[vector<16xi32>, vector<16xi32>], vector<16xf32>,
      %broadcast_in_dim3A_424 = arith.constant 3 : i32
      %broadcast_in_dim3A_425 = vector.broadcast %broadcast_in_dim3A_424 : i32 to vector<16xi32>
      tpu.vector_store_idx %arg10[%broadcast_in_dim3A_425, %add3A_414], %get3A_248 : memref<8x1024xf32, #tpu.memory_space<vmem>>[vector<16xi32>, vector<16xi32>], vector<16xf32>,
      %mul3A_426 = arith.mulf %exp3A_388, %div3A_406 : vector<16xf32>
      tpu.vector_store_idx %arg11[%broadcast_in_dim3A_425, %add3A_414], %mul3A_426 : memref<8x1024xf32, #tpu.memory_space<vmem>>[vector<16xi32>, vector<16xi32>], vector<16xf32>,
      %broadcast_in_dim3A_427 = arith.constant 4 : i32
      %broadcast_in_dim3A_428 = vector.broadcast %broadcast_in_dim3A_427 : i32 to vector<16xi32>
      tpu.vector_store_idx %arg10[%broadcast_in_dim3A_428, %add3A_414], %get3A_254 : memref<8x1024xf32, #tpu.memory_space<vmem>>[vector<16xi32>, vector<16xi32>], vector<16xf32>,
      %mul3A_429 = arith.mulf %exp3A_390, %div3A_406 : vector<16xf32>
      tpu.vector_store_idx %arg11[%broadcast_in_dim3A_428, %add3A_414], %mul3A_429 : memref<8x1024xf32, #tpu.memory_space<vmem>>[vector<16xi32>, vector<16xi32>], vector<16xf32>,
      %broadcast_in_dim3A_430 = arith.constant 5 : i32
      %broadcast_in_dim3A_431 = vector.broadcast %broadcast_in_dim3A_430 : i32 to vector<16xi32>
      tpu.vector_store_idx %arg10[%broadcast_in_dim3A_431, %add3A_414], %get3A_260 : memref<8x1024xf32, #tpu.memory_space<vmem>>[vector<16xi32>, vector<16xi32>], vector<16xf32>,
      %mul3A_432 = arith.mulf %exp3A_392, %div3A_406 : vector<16xf32>
      tpu.vector_store_idx %arg11[%broadcast_in_dim3A_431, %add3A_414], %mul3A_432 : memref<8x1024xf32, #tpu.memory_space<vmem>>[vector<16xi32>, vector<16xi32>], vector<16xf32>,
      %broadcast_in_dim3A_433 = arith.constant 6 : i32
      %broadcast_in_dim3A_434 = vector.broadcast %broadcast_in_dim3A_433 : i32 to vector<16xi32>
      tpu.vector_store_idx %arg10[%broadcast_in_dim3A_434, %add3A_414], %get3A_266 : memref<8x1024xf32, #tpu.memory_space<vmem>>[vector<16xi32>, vector<16xi32>], vector<16xf32>,
      %mul3A_435 = arith.mulf %exp3A_394, %div3A_406 : vector<16xf32>
      tpu.vector_store_idx %arg11[%broadcast_in_dim3A_434, %add3A_414], %mul3A_435 : memref<8x1024xf32, #tpu.memory_space<vmem>>[vector<16xi32>, vector<16xi32>], vector<16xf32>,
      %broadcast_in_dim3A_436 = arith.constant 7 : i32
      %broadcast_in_dim3A_437 = vector.broadcast %broadcast_in_dim3A_436 : i32 to vector<16xi32>
      tpu.vector_store_idx %arg10[%broadcast_in_dim3A_437, %add3A_414], %get3A_272 : memref<8x1024xf32, #tpu.memory_space<vmem>>[vector<16xi32>, vector<16xi32>], vector<16xf32>,
      %mul3A_438 = arith.mulf %exp3A_396, %div3A_406 : vector<16xf32>
      tpu.vector_store_idx %arg11[%broadcast_in_dim3A_437, %add3A_414], %mul3A_438 : memref<8x1024xf32, #tpu.memory_space<vmem>>[vector<16xi32>, vector<16xi32>], vector<16xf32>,
      %broadcast_in_dim3A_439 = arith.constant 0 : i32
      %broadcast_in_dim3A_440 = vector.broadcast %broadcast_in_dim3A_439 : i32 to vector<16xi32>
      tpu.vector_store_idx %arg12[%broadcast_in_dim3A_440, %add3A_414], %select_n3A_309 : memref<2x1024xi32, #tpu.memory_space<vmem>>[vector<16xi32>, vector<16xi32>], vector<16xi32>,
      %broadcast_in_dim3A_441 = arith.constant 1 : i32
      %broadcast_in_dim3A_442 = vector.broadcast %broadcast_in_dim3A_441 : i32 to vector<16xi32>
      tpu.vector_store_idx %arg12[%broadcast_in_dim3A_442, %add3A_414], %select_n3A_380 : memref<2x1024xi32, #tpu.memory_space<vmem>>[vector<16xi32>, vector<16xi32>], vector<16xi32>,
      %get3A_443 = arith.constant 2 : i32
      %get3A_444 = arith.constant 0 : i32
      %get3A_445 = arith.index_cast %get3A_443 : i32 to index
      %get3A_446 = arith.index_cast %get3A_444 : i32 to index
      %get3A_447 = arith.index_cast %mul3A_15 : i32 to index
      %get3A_448 = tpu.vector_load %arg9[%get3A_445, %get3A_446, %get3A_447] {strides = array<i32>} : memref<4x8x256xf32, #tpu.memory_space<vmem>>, vector<16xf32>,
      %get3A_449 = arith.constant 2 : i32
      %get3A_450 = arith.constant 1 : i32
      %get3A_451 = arith.index_cast %get3A_449 : i32 to index
      %get3A_452 = arith.index_cast %get3A_450 : i32 to index
      %get3A_453 = arith.index_cast %mul3A_15 : i32 to index
      %get3A_454 = tpu.vector_load %arg9[%get3A_451, %get3A_452, %get3A_453] {strides = array<i32>} : memref<4x8x256xf32, #tpu.memory_space<vmem>>, vector<16xf32>,
      %get3A_455 = arith.constant 2 : i32
      %get3A_456 = arith.constant 2 : i32
      %get3A_457 = arith.index_cast %get3A_455 : i32 to index
      %get3A_458 = arith.index_cast %get3A_456 : i32 to index
      %get3A_459 = arith.index_cast %mul3A_15 : i32 to index
      %get3A_460 = tpu.vector_load %arg9[%get3A_457, %get3A_458, %get3A_459] {strides = array<i32>} : memref<4x8x256xf32, #tpu.memory_space<vmem>>, vector<16xf32>,
      %get3A_461 = arith.constant 2 : i32
      %get3A_462 = arith.constant 3 : i32
      %get3A_463 = arith.index_cast %get3A_461 : i32 to index
      %get3A_464 = arith.index_cast %get3A_462 : i32 to index
      %get3A_465 = arith.index_cast %mul3A_15 : i32 to index
      %get3A_466 = tpu.vector_load %arg9[%get3A_463, %get3A_464, %get3A_465] {strides = array<i32>} : memref<4x8x256xf32, #tpu.memory_space<vmem>>, vector<16xf32>,
      %get3A_467 = arith.constant 2 : i32
      %get3A_468 = arith.constant 4 : i32
      %get3A_469 = arith.index_cast %get3A_467 : i32 to index
      %get3A_470 = arith.index_cast %get3A_468 : i32 to index
      %get3A_471 = arith.index_cast %mul3A_15 : i32 to index
      %get3A_472 = tpu.vector_load %arg9[%get3A_469, %get3A_470, %get3A_471] {strides = array<i32>} : memref<4x8x256xf32, #tpu.memory_space<vmem>>, vector<16xf32>,
      %get3A_473 = arith.constant 2 : i32
      %get3A_474 = arith.constant 5 : i32
      %get3A_475 = arith.index_cast %get3A_473 : i32 to index
      %get3A_476 = arith.index_cast %get3A_474 : i32 to index
      %get3A_477 = arith.index_cast %mul3A_15 : i32 to index
      %get3A_478 = tpu.vector_load %arg9[%get3A_475, %get3A_476, %get3A_477] {strides = array<i32>} : memref<4x8x256xf32, #tpu.memory_space<vmem>>, vector<16xf32>,
      %get3A_479 = arith.constant 2 : i32
      %get3A_480 = arith.constant 6 : i32
      %get3A_481 = arith.index_cast %get3A_479 : i32 to index
      %get3A_482 = arith.index_cast %get3A_480 : i32 to index
      %get3A_483 = arith.index_cast %mul3A_15 : i32 to index
      %get3A_484 = tpu.vector_load %arg9[%get3A_481, %get3A_482, %get3A_483] {strides = array<i32>} : memref<4x8x256xf32, #tpu.memory_space<vmem>>, vector<16xf32>,
      %get3A_485 = arith.constant 2 : i32
      %get3A_486 = arith.constant 7 : i32
      %get3A_487 = arith.index_cast %get3A_485 : i32 to index
      %get3A_488 = arith.index_cast %get3A_486 : i32 to index
      %get3A_489 = arith.index_cast %mul3A_15 : i32 to index
      %get3A_490 = tpu.vector_load %arg9[%get3A_487, %get3A_488, %get3A_489] {strides = array<i32>} : memref<4x8x256xf32, #tpu.memory_space<vmem>>, vector<16xf32>,
      %broadcast_in_dim3A_491 = arith.constant 0 : i32
      %broadcast_in_dim3A_492 = vector.broadcast %broadcast_in_dim3A_491 : i32 to vector<16xi32>
      %gt3A_493 = arith.cmpf ogt, %get3A_454, %get3A_448 : vector<16xf32>
      %select_n3A_494 = arith.select %gt3A_493, %get3A_454, %get3A_448 : vector<16xi1>, vector<16xf32>
      %jit3A_495 = arith.constant 1 : i32
      %broadcast_in_dim3A_496 = vector.broadcast %jit3A_495 : i32 to vector<16xi32>
      %select_n3A_497 = arith.select %gt3A_493, %broadcast_in_dim3A_496, %broadcast_in_dim3A_492 : vector<16xi1>, vector<16xi32>
      %gt3A_498 = arith.cmpf ogt, %get3A_460, %select_n3A_494 : vector<16xf32>
      %select_n3A_499 = arith.select %gt3A_498, %get3A_460, %select_n3A_494 : vector<16xi1>, vector<16xf32>
      %jit3A_500 = arith.constant 2 : i32
      %broadcast_in_dim3A_501 = vector.broadcast %jit3A_500 : i32 to vector<16xi32>
      %select_n3A_502 = arith.select %gt3A_498, %broadcast_in_dim3A_501, %select_n3A_497 : vector<16xi1>, vector<16xi32>
      %gt3A_503 = arith.cmpf ogt, %get3A_466, %select_n3A_499 : vector<16xf32>
      %select_n3A_504 = arith.select %gt3A_503, %get3A_466, %select_n3A_499 : vector<16xi1>, vector<16xf32>
      %jit3A_505 = arith.constant 3 : i32
      %broadcast_in_dim3A_506 = vector.broadcast %jit3A_505 : i32 to vector<16xi32>
      %select_n3A_507 = arith.select %gt3A_503, %broadcast_in_dim3A_506, %select_n3A_502 : vector<16xi1>, vector<16xi32>
      %gt3A_508 = arith.cmpf ogt, %get3A_472, %select_n3A_504 : vector<16xf32>
      %select_n3A_509 = arith.select %gt3A_508, %get3A_472, %select_n3A_504 : vector<16xi1>, vector<16xf32>
      %jit3A_510 = arith.constant 4 : i32
      %broadcast_in_dim3A_511 = vector.broadcast %jit3A_510 : i32 to vector<16xi32>
      %select_n3A_512 = arith.select %gt3A_508, %broadcast_in_dim3A_511, %select_n3A_507 : vector<16xi1>, vector<16xi32>
      %gt3A_513 = arith.cmpf ogt, %get3A_478, %select_n3A_509 : vector<16xf32>
      %select_n3A_514 = arith.select %gt3A_513, %get3A_478, %select_n3A_509 : vector<16xi1>, vector<16xf32>
      %jit3A_515 = arith.constant 5 : i32
      %broadcast_in_dim3A_516 = vector.broadcast %jit3A_515 : i32 to vector<16xi32>
      %select_n3A_517 = arith.select %gt3A_513, %broadcast_in_dim3A_516, %select_n3A_512 : vector<16xi1>, vector<16xi32>
      %gt3A_518 = arith.cmpf ogt, %get3A_484, %select_n3A_514 : vector<16xf32>
      %select_n3A_519 = arith.select %gt3A_518, %get3A_484, %select_n3A_514 : vector<16xi1>, vector<16xf32>
      %jit3A_520 = arith.constant 6 : i32
      %broadcast_in_dim3A_521 = vector.broadcast %jit3A_520 : i32 to vector<16xi32>
      %select_n3A_522 = arith.select %gt3A_518, %broadcast_in_dim3A_521, %select_n3A_517 : vector<16xi1>, vector<16xi32>
      %gt3A_523 = arith.cmpf ogt, %get3A_490, %select_n3A_519 : vector<16xf32>
      %select_n3A_524 = arith.select %gt3A_523, %get3A_490, %select_n3A_519 : vector<16xi1>, vector<16xf32>
      %jit3A_525 = arith.constant 7 : i32
      %broadcast_in_dim3A_526 = vector.broadcast %jit3A_525 : i32 to vector<16xi32>
      %select_n3A_527 = arith.select %gt3A_523, %broadcast_in_dim3A_526, %select_n3A_522 : vector<16xi1>, vector<16xi32>
      %broadcast_in_dim3A_528 = arith.constant 0xFF800000 : f32
      %broadcast_in_dim3A_529 = vector.broadcast %broadcast_in_dim3A_528 : f32 to vector<16xf32>
      %eq3A_530 = arith.constant 0 : i32
      %eq3A_531 = vector.broadcast %eq3A_530 : i32 to vector<16xi32>
      %eq3A_532 = arith.cmpi eq, %select_n3A_527, %eq3A_531 : vector<16xi32>
      %select_n3A_533 = arith.select %eq3A_532, %broadcast_in_dim3A_529, %get3A_448 : vector<16xi1>, vector<16xf32>
      %broadcast_in_dim3A_534 = arith.constant 0 : i32
      %broadcast_in_dim3A_535 = vector.broadcast %broadcast_in_dim3A_534 : i32 to vector<16xi32>
      %eq3A_536 = arith.constant 1 : i32
      %eq3A_537 = vector.broadcast %eq3A_536 : i32 to vector<16xi32>
      %eq3A_538 = arith.cmpi eq, %select_n3A_527, %eq3A_537 : vector<16xi32>
      %select_n3A_539 = arith.select %eq3A_538, %broadcast_in_dim3A_529, %get3A_454 : vector<16xi1>, vector<16xf32>
      %gt3A_540 = arith.cmpf ogt, %select_n3A_539, %select_n3A_533 : vector<16xf32>
      %select_n3A_541 = arith.select %gt3A_540, %select_n3A_539, %select_n3A_533 : vector<16xi1>, vector<16xf32>
      %jit3A_542 = arith.constant 1 : i32
      %broadcast_in_dim3A_543 = vector.broadcast %jit3A_542 : i32 to vector<16xi32>
      %select_n3A_544 = arith.select %gt3A_540, %broadcast_in_dim3A_543, %broadcast_in_dim3A_535 : vector<16xi1>, vector<16xi32>
      %eq3A_545 = arith.constant 2 : i32
      %eq3A_546 = vector.broadcast %eq3A_545 : i32 to vector<16xi32>
      %eq3A_547 = arith.cmpi eq, %select_n3A_527, %eq3A_546 : vector<16xi32>
      %select_n3A_548 = arith.select %eq3A_547, %broadcast_in_dim3A_529, %get3A_460 : vector<16xi1>, vector<16xf32>
      %gt3A_549 = arith.cmpf ogt, %select_n3A_548, %select_n3A_541 : vector<16xf32>
      %select_n3A_550 = arith.select %gt3A_549, %select_n3A_548, %select_n3A_541 : vector<16xi1>, vector<16xf32>
      %jit3A_551 = arith.constant 2 : i32
      %broadcast_in_dim3A_552 = vector.broadcast %jit3A_551 : i32 to vector<16xi32>
      %select_n3A_553 = arith.select %gt3A_549, %broadcast_in_dim3A_552, %select_n3A_544 : vector<16xi1>, vector<16xi32>
      %eq3A_554 = arith.constant 3 : i32
      %eq3A_555 = vector.broadcast %eq3A_554 : i32 to vector<16xi32>
      %eq3A_556 = arith.cmpi eq, %select_n3A_527, %eq3A_555 : vector<16xi32>
      %select_n3A_557 = arith.select %eq3A_556, %broadcast_in_dim3A_529, %get3A_466 : vector<16xi1>, vector<16xf32>
      %gt3A_558 = arith.cmpf ogt, %select_n3A_557, %select_n3A_550 : vector<16xf32>
      %select_n3A_559 = arith.select %gt3A_558, %select_n3A_557, %select_n3A_550 : vector<16xi1>, vector<16xf32>
      %jit3A_560 = arith.constant 3 : i32
      %broadcast_in_dim3A_561 = vector.broadcast %jit3A_560 : i32 to vector<16xi32>
      %select_n3A_562 = arith.select %gt3A_558, %broadcast_in_dim3A_561, %select_n3A_553 : vector<16xi1>, vector<16xi32>
      %eq3A_563 = arith.constant 4 : i32
      %eq3A_564 = vector.broadcast %eq3A_563 : i32 to vector<16xi32>
      %eq3A_565 = arith.cmpi eq, %select_n3A_527, %eq3A_564 : vector<16xi32>
      %select_n3A_566 = arith.select %eq3A_565, %broadcast_in_dim3A_529, %get3A_472 : vector<16xi1>, vector<16xf32>
      %gt3A_567 = arith.cmpf ogt, %select_n3A_566, %select_n3A_559 : vector<16xf32>
      %select_n3A_568 = arith.select %gt3A_567, %select_n3A_566, %select_n3A_559 : vector<16xi1>, vector<16xf32>
      %jit3A_569 = arith.constant 4 : i32
      %broadcast_in_dim3A_570 = vector.broadcast %jit3A_569 : i32 to vector<16xi32>
      %select_n3A_571 = arith.select %gt3A_567, %broadcast_in_dim3A_570, %select_n3A_562 : vector<16xi1>, vector<16xi32>
      %eq3A_572 = arith.constant 5 : i32
      %eq3A_573 = vector.broadcast %eq3A_572 : i32 to vector<16xi32>
      %eq3A_574 = arith.cmpi eq, %select_n3A_527, %eq3A_573 : vector<16xi32>
      %select_n3A_575 = arith.select %eq3A_574, %broadcast_in_dim3A_529, %get3A_478 : vector<16xi1>, vector<16xf32>
      %gt3A_576 = arith.cmpf ogt, %select_n3A_575, %select_n3A_568 : vector<16xf32>
      %select_n3A_577 = arith.select %gt3A_576, %select_n3A_575, %select_n3A_568 : vector<16xi1>, vector<16xf32>
      %jit3A_578 = arith.constant 5 : i32
      %broadcast_in_dim3A_579 = vector.broadcast %jit3A_578 : i32 to vector<16xi32>
      %select_n3A_580 = arith.select %gt3A_576, %broadcast_in_dim3A_579, %select_n3A_571 : vector<16xi1>, vector<16xi32>
      %eq3A_581 = arith.constant 6 : i32
      %eq3A_582 = vector.broadcast %eq3A_581 : i32 to vector<16xi32>
      %eq3A_583 = arith.cmpi eq, %select_n3A_527, %eq3A_582 : vector<16xi32>
      %select_n3A_584 = arith.select %eq3A_583, %broadcast_in_dim3A_529, %get3A_484 : vector<16xi1>, vector<16xf32>
      %gt3A_585 = arith.cmpf ogt, %select_n3A_584, %select_n3A_577 : vector<16xf32>
      %select_n3A_586 = arith.select %gt3A_585, %select_n3A_584, %select_n3A_577 : vector<16xi1>, vector<16xf32>
      %jit3A_587 = arith.constant 6 : i32
      %broadcast_in_dim3A_588 = vector.broadcast %jit3A_587 : i32 to vector<16xi32>
      %select_n3A_589 = arith.select %gt3A_585, %broadcast_in_dim3A_588, %select_n3A_580 : vector<16xi1>, vector<16xi32>
      %eq3A_590 = arith.constant 7 : i32
      %eq3A_591 = vector.broadcast %eq3A_590 : i32 to vector<16xi32>
      %eq3A_592 = arith.cmpi eq, %select_n3A_527, %eq3A_591 : vector<16xi32>
      %select_n3A_593 = arith.select %eq3A_592, %broadcast_in_dim3A_529, %get3A_490 : vector<16xi1>, vector<16xf32>
      %gt3A_594 = arith.cmpf ogt, %select_n3A_593, %select_n3A_586 : vector<16xf32>
      %select_n3A_595 = arith.select %gt3A_594, %select_n3A_593, %select_n3A_586 : vector<16xi1>, vector<16xf32>
      %jit3A_596 = arith.constant 7 : i32
      %broadcast_in_dim3A_597 = vector.broadcast %jit3A_596 : i32 to vector<16xi32>
      %select_n3A_598 = arith.select %gt3A_594, %broadcast_in_dim3A_597, %select_n3A_589 : vector<16xi1>, vector<16xi32>
      %sub3A_599 = arith.subf %get3A_448, %select_n3A_524 : vector<16xf32>
      %exp3A_600 = math.exp %sub3A_599 : vector<16xf32>
      %sub3A_601 = arith.subf %get3A_454, %select_n3A_524 : vector<16xf32>
      %exp3A_602 = math.exp %sub3A_601 : vector<16xf32>
      %sub3A_603 = arith.subf %get3A_460, %select_n3A_524 : vector<16xf32>
      %exp3A_604 = math.exp %sub3A_603 : vector<16xf32>
      %sub3A_605 = arith.subf %get3A_466, %select_n3A_524 : vector<16xf32>
      %exp3A_606 = math.exp %sub3A_605 : vector<16xf32>
      %sub3A_607 = arith.subf %get3A_472, %select_n3A_524 : vector<16xf32>
      %exp3A_608 = math.exp %sub3A_607 : vector<16xf32>
      %sub3A_609 = arith.subf %get3A_478, %select_n3A_524 : vector<16xf32>
      %exp3A_610 = math.exp %sub3A_609 : vector<16xf32>
      %sub3A_611 = arith.subf %get3A_484, %select_n3A_524 : vector<16xf32>
      %exp3A_612 = math.exp %sub3A_611 : vector<16xf32>
      %sub3A_613 = arith.subf %get3A_490, %select_n3A_524 : vector<16xf32>
      %exp3A_614 = math.exp %sub3A_613 : vector<16xf32>
      %add3A_615 = arith.addf %exp3A_600, %exp3A_602 : vector<16xf32>
      %add3A_616 = arith.addf %add3A_615, %exp3A_604 : vector<16xf32>
      %add3A_617 = arith.addf %add3A_616, %exp3A_606 : vector<16xf32>
      %add3A_618 = arith.addf %add3A_617, %exp3A_608 : vector<16xf32>
      %add3A_619 = arith.addf %add3A_618, %exp3A_610 : vector<16xf32>
      %add3A_620 = arith.addf %add3A_619, %exp3A_612 : vector<16xf32>
      %add3A_621 = arith.addf %add3A_620, %exp3A_614 : vector<16xf32>
      %broadcast_in_dim3A_622 = arith.constant 1.000000e+00 : f32
      %broadcast_in_dim3A_623 = vector.broadcast %broadcast_in_dim3A_622 : f32 to vector<16xf32>
      %div3A_624 = arith.divf %broadcast_in_dim3A_623, %add3A_621 : vector<16xf32>
      %add3A_625 = vector.broadcast %mul3A_15 : i32 to vector<16xi32>
      %add3A_626 = arith.addi %add3A_625, %iota3A : vector<16xi32>
      %mul3A_627 = arith.constant 4 : i32
      %mul3A_628 = vector.broadcast %mul3A_627 : i32 to vector<16xi32>
      %mul3A_629 = arith.muli %add3A_626, %mul3A_628 : vector<16xi32>
      %add3A_630 = arith.constant 2 : i32
      %add3A_631 = vector.broadcast %add3A_630 : i32 to vector<16xi32>
      %add3A_632 = arith.addi %mul3A_629, %add3A_631 : vector<16xi32>
      %broadcast_in_dim3A_633 = arith.constant 0 : i32
      %broadcast_in_dim3A_634 = vector.broadcast %broadcast_in_dim3A_633 : i32 to vector<16xi32>
      tpu.vector_store_idx %arg10[%broadcast_in_dim3A_634, %add3A_632], %get3A_448 : memref<8x1024xf32, #tpu.memory_space<vmem>>[vector<16xi32>, vector<16xi32>], vector<16xf32>,
      %mul3A_635 = arith.mulf %exp3A_600, %div3A_624 : vector<16xf32>
      tpu.vector_store_idx %arg11[%broadcast_in_dim3A_634, %add3A_632], %mul3A_635 : memref<8x1024xf32, #tpu.memory_space<vmem>>[vector<16xi32>, vector<16xi32>], vector<16xf32>,
      %broadcast_in_dim3A_636 = arith.constant 1 : i32
      %broadcast_in_dim3A_637 = vector.broadcast %broadcast_in_dim3A_636 : i32 to vector<16xi32>
      tpu.vector_store_idx %arg10[%broadcast_in_dim3A_637, %add3A_632], %get3A_454 : memref<8x1024xf32, #tpu.memory_space<vmem>>[vector<16xi32>, vector<16xi32>], vector<16xf32>,
      %mul3A_638 = arith.mulf %exp3A_602, %div3A_624 : vector<16xf32>
      tpu.vector_store_idx %arg11[%broadcast_in_dim3A_637, %add3A_632], %mul3A_638 : memref<8x1024xf32, #tpu.memory_space<vmem>>[vector<16xi32>, vector<16xi32>], vector<16xf32>,
      %broadcast_in_dim3A_639 = arith.constant 2 : i32
      %broadcast_in_dim3A_640 = vector.broadcast %broadcast_in_dim3A_639 : i32 to vector<16xi32>
      tpu.vector_store_idx %arg10[%broadcast_in_dim3A_640, %add3A_632], %get3A_460 : memref<8x1024xf32, #tpu.memory_space<vmem>>[vector<16xi32>, vector<16xi32>], vector<16xf32>,
      %mul3A_641 = arith.mulf %exp3A_604, %div3A_624 : vector<16xf32>
      tpu.vector_store_idx %arg11[%broadcast_in_dim3A_640, %add3A_632], %mul3A_641 : memref<8x1024xf32, #tpu.memory_space<vmem>>[vector<16xi32>, vector<16xi32>], vector<16xf32>,
      %broadcast_in_dim3A_642 = arith.constant 3 : i32
      %broadcast_in_dim3A_643 = vector.broadcast %broadcast_in_dim3A_642 : i32 to vector<16xi32>
      tpu.vector_store_idx %arg10[%broadcast_in_dim3A_643, %add3A_632], %get3A_466 : memref<8x1024xf32, #tpu.memory_space<vmem>>[vector<16xi32>, vector<16xi32>], vector<16xf32>,
      %mul3A_644 = arith.mulf %exp3A_606, %div3A_624 : vector<16xf32>
      tpu.vector_store_idx %arg11[%broadcast_in_dim3A_643, %add3A_632], %mul3A_644 : memref<8x1024xf32, #tpu.memory_space<vmem>>[vector<16xi32>, vector<16xi32>], vector<16xf32>,
      %broadcast_in_dim3A_645 = arith.constant 4 : i32
      %broadcast_in_dim3A_646 = vector.broadcast %broadcast_in_dim3A_645 : i32 to vector<16xi32>
      tpu.vector_store_idx %arg10[%broadcast_in_dim3A_646, %add3A_632], %get3A_472 : memref<8x1024xf32, #tpu.memory_space<vmem>>[vector<16xi32>, vector<16xi32>], vector<16xf32>,
      %mul3A_647 = arith.mulf %exp3A_608, %div3A_624 : vector<16xf32>
      tpu.vector_store_idx %arg11[%broadcast_in_dim3A_646, %add3A_632], %mul3A_647 : memref<8x1024xf32, #tpu.memory_space<vmem>>[vector<16xi32>, vector<16xi32>], vector<16xf32>,
      %broadcast_in_dim3A_648 = arith.constant 5 : i32
      %broadcast_in_dim3A_649 = vector.broadcast %broadcast_in_dim3A_648 : i32 to vector<16xi32>
      tpu.vector_store_idx %arg10[%broadcast_in_dim3A_649, %add3A_632], %get3A_478 : memref<8x1024xf32, #tpu.memory_space<vmem>>[vector<16xi32>, vector<16xi32>], vector<16xf32>,
      %mul3A_650 = arith.mulf %exp3A_610, %div3A_624 : vector<16xf32>
      tpu.vector_store_idx %arg11[%broadcast_in_dim3A_649, %add3A_632], %mul3A_650 : memref<8x1024xf32, #tpu.memory_space<vmem>>[vector<16xi32>, vector<16xi32>], vector<16xf32>,
      %broadcast_in_dim3A_651 = arith.constant 6 : i32
      %broadcast_in_dim3A_652 = vector.broadcast %broadcast_in_dim3A_651 : i32 to vector<16xi32>
      tpu.vector_store_idx %arg10[%broadcast_in_dim3A_652, %add3A_632], %get3A_484 : memref<8x1024xf32, #tpu.memory_space<vmem>>[vector<16xi32>, vector<16xi32>], vector<16xf32>,
      %mul3A_653 = arith.mulf %exp3A_612, %div3A_624 : vector<16xf32>
      tpu.vector_store_idx %arg11[%broadcast_in_dim3A_652, %add3A_632], %mul3A_653 : memref<8x1024xf32, #tpu.memory_space<vmem>>[vector<16xi32>, vector<16xi32>], vector<16xf32>,
      %broadcast_in_dim3A_654 = arith.constant 7 : i32
      %broadcast_in_dim3A_655 = vector.broadcast %broadcast_in_dim3A_654 : i32 to vector<16xi32>
      tpu.vector_store_idx %arg10[%broadcast_in_dim3A_655, %add3A_632], %get3A_490 : memref<8x1024xf32, #tpu.memory_space<vmem>>[vector<16xi32>, vector<16xi32>], vector<16xf32>,
      %mul3A_656 = arith.mulf %exp3A_614, %div3A_624 : vector<16xf32>
      tpu.vector_store_idx %arg11[%broadcast_in_dim3A_655, %add3A_632], %mul3A_656 : memref<8x1024xf32, #tpu.memory_space<vmem>>[vector<16xi32>, vector<16xi32>], vector<16xf32>,
      %broadcast_in_dim3A_657 = arith.constant 0 : i32
      %broadcast_in_dim3A_658 = vector.broadcast %broadcast_in_dim3A_657 : i32 to vector<16xi32>
      tpu.vector_store_idx %arg12[%broadcast_in_dim3A_658, %add3A_632], %select_n3A_527 : memref<2x1024xi32, #tpu.memory_space<vmem>>[vector<16xi32>, vector<16xi32>], vector<16xi32>,
      %broadcast_in_dim3A_659 = arith.constant 1 : i32
      %broadcast_in_dim3A_660 = vector.broadcast %broadcast_in_dim3A_659 : i32 to vector<16xi32>
      tpu.vector_store_idx %arg12[%broadcast_in_dim3A_660, %add3A_632], %select_n3A_598 : memref<2x1024xi32, #tpu.memory_space<vmem>>[vector<16xi32>, vector<16xi32>], vector<16xi32>,
      %get3A_661 = arith.constant 3 : i32
      %get3A_662 = arith.constant 0 : i32
      %get3A_663 = arith.index_cast %get3A_661 : i32 to index
      %get3A_664 = arith.index_cast %get3A_662 : i32 to index
      %get3A_665 = arith.index_cast %mul3A_15 : i32 to index
      %get3A_666 = tpu.vector_load %arg9[%get3A_663, %get3A_664, %get3A_665] {strides = array<i32>} : memref<4x8x256xf32, #tpu.memory_space<vmem>>, vector<16xf32>,
      %get3A_667 = arith.constant 3 : i32
      %get3A_668 = arith.constant 1 : i32
      %get3A_669 = arith.index_cast %get3A_667 : i32 to index
      %get3A_670 = arith.index_cast %get3A_668 : i32 to index
      %get3A_671 = arith.index_cast %mul3A_15 : i32 to index
      %get3A_672 = tpu.vector_load %arg9[%get3A_669, %get3A_670, %get3A_671] {strides = array<i32>} : memref<4x8x256xf32, #tpu.memory_space<vmem>>, vector<16xf32>,
      %get3A_673 = arith.constant 3 : i32
      %get3A_674 = arith.constant 2 : i32
      %get3A_675 = arith.index_cast %get3A_673 : i32 to index
      %get3A_676 = arith.index_cast %get3A_674 : i32 to index
      %get3A_677 = arith.index_cast %mul3A_15 : i32 to index
      %get3A_678 = tpu.vector_load %arg9[%get3A_675, %get3A_676, %get3A_677] {strides = array<i32>} : memref<4x8x256xf32, #tpu.memory_space<vmem>>, vector<16xf32>,
      %get3A_679 = arith.constant 3 : i32
      %get3A_680 = arith.constant 3 : i32
      %get3A_681 = arith.index_cast %get3A_679 : i32 to index
      %get3A_682 = arith.index_cast %get3A_680 : i32 to index
      %get3A_683 = arith.index_cast %mul3A_15 : i32 to index
      %get3A_684 = tpu.vector_load %arg9[%get3A_681, %get3A_682, %get3A_683] {strides = array<i32>} : memref<4x8x256xf32, #tpu.memory_space<vmem>>, vector<16xf32>,
      %get3A_685 = arith.constant 3 : i32
      %get3A_686 = arith.constant 4 : i32
      %get3A_687 = arith.index_cast %get3A_685 : i32 to index
      %get3A_688 = arith.index_cast %get3A_686 : i32 to index
      %get3A_689 = arith.index_cast %mul3A_15 : i32 to index
      %get3A_690 = tpu.vector_load %arg9[%get3A_687, %get3A_688, %get3A_689] {strides = array<i32>} : memref<4x8x256xf32, #tpu.memory_space<vmem>>, vector<16xf32>,
      %get3A_691 = arith.constant 3 : i32
      %get3A_692 = arith.constant 5 : i32
      %get3A_693 = arith.index_cast %get3A_691 : i32 to index
      %get3A_694 = arith.index_cast %get3A_692 : i32 to index
      %get3A_695 = arith.index_cast %mul3A_15 : i32 to index
      %get3A_696 = tpu.vector_load %arg9[%get3A_693, %get3A_694, %get3A_695] {strides = array<i32>} : memref<4x8x256xf32, #tpu.memory_space<vmem>>, vector<16xf32>,
      %get3A_697 = arith.constant 3 : i32
      %get3A_698 = arith.constant 6 : i32
      %get3A_699 = arith.index_cast %get3A_697 : i32 to index
      %get3A_700 = arith.index_cast %get3A_698 : i32 to index
      %get3A_701 = arith.index_cast %mul3A_15 : i32 to index
      %get3A_702 = tpu.vector_load %arg9[%get3A_699, %get3A_700, %get3A_701] {strides = array<i32>} : memref<4x8x256xf32, #tpu.memory_space<vmem>>, vector<16xf32>,
      %get3A_703 = arith.constant 3 : i32
      %get3A_704 = arith.constant 7 : i32
      %get3A_705 = arith.index_cast %get3A_703 : i32 to index
      %get3A_706 = arith.index_cast %get3A_704 : i32 to index
      %get3A_707 = arith.index_cast %mul3A_15 : i32 to index
      %get3A_708 = tpu.vector_load %arg9[%get3A_705, %get3A_706, %get3A_707] {strides = array<i32>} : memref<4x8x256xf32, #tpu.memory_space<vmem>>, vector<16xf32>,
      %broadcast_in_dim3A_709 = arith.constant 0 : i32
      %broadcast_in_dim3A_710 = vector.broadcast %broadcast_in_dim3A_709 : i32 to vector<16xi32>
      %gt3A_711 = arith.cmpf ogt, %get3A_672, %get3A_666 : vector<16xf32>
      %select_n3A_712 = arith.select %gt3A_711, %get3A_672, %get3A_666 : vector<16xi1>, vector<16xf32>
      %jit3A_713 = arith.constant 1 : i32
      %broadcast_in_dim3A_714 = vector.broadcast %jit3A_713 : i32 to vector<16xi32>
      %select_n3A_715 = arith.select %gt3A_711, %broadcast_in_dim3A_714, %broadcast_in_dim3A_710 : vector<16xi1>, vector<16xi32>
      %gt3A_716 = arith.cmpf ogt, %get3A_678, %select_n3A_712 : vector<16xf32>
      %select_n3A_717 = arith.select %gt3A_716, %get3A_678, %select_n3A_712 : vector<16xi1>, vector<16xf32>
      %jit3A_718 = arith.constant 2 : i32
      %broadcast_in_dim3A_719 = vector.broadcast %jit3A_718 : i32 to vector<16xi32>
      %select_n3A_720 = arith.select %gt3A_716, %broadcast_in_dim3A_719, %select_n3A_715 : vector<16xi1>, vector<16xi32>
      %gt3A_721 = arith.cmpf ogt, %get3A_684, %select_n3A_717 : vector<16xf32>
      %select_n3A_722 = arith.select %gt3A_721, %get3A_684, %select_n3A_717 : vector<16xi1>, vector<16xf32>
      %jit3A_723 = arith.constant 3 : i32
      %broadcast_in_dim3A_724 = vector.broadcast %jit3A_723 : i32 to vector<16xi32>
      %select_n3A_725 = arith.select %gt3A_721, %broadcast_in_dim3A_724, %select_n3A_720 : vector<16xi1>, vector<16xi32>
      %gt3A_726 = arith.cmpf ogt, %get3A_690, %select_n3A_722 : vector<16xf32>
      %select_n3A_727 = arith.select %gt3A_726, %get3A_690, %select_n3A_722 : vector<16xi1>, vector<16xf32>
      %jit3A_728 = arith.constant 4 : i32
      %broadcast_in_dim3A_729 = vector.broadcast %jit3A_728 : i32 to vector<16xi32>
      %select_n3A_730 = arith.select %gt3A_726, %broadcast_in_dim3A_729, %select_n3A_725 : vector<16xi1>, vector<16xi32>
      %gt3A_731 = arith.cmpf ogt, %get3A_696, %select_n3A_727 : vector<16xf32>
      %select_n3A_732 = arith.select %gt3A_731, %get3A_696, %select_n3A_727 : vector<16xi1>, vector<16xf32>
      %jit3A_733 = arith.constant 5 : i32
      %broadcast_in_dim3A_734 = vector.broadcast %jit3A_733 : i32 to vector<16xi32>
      %select_n3A_735 = arith.select %gt3A_731, %broadcast_in_dim3A_734, %select_n3A_730 : vector<16xi1>, vector<16xi32>
      %gt3A_736 = arith.cmpf ogt, %get3A_702, %select_n3A_732 : vector<16xf32>
      %select_n3A_737 = arith.select %gt3A_736, %get3A_702, %select_n3A_732 : vector<16xi1>, vector<16xf32>
      %jit3A_738 = arith.constant 6 : i32
      %broadcast_in_dim3A_739 = vector.broadcast %jit3A_738 : i32 to vector<16xi32>
      %select_n3A_740 = arith.select %gt3A_736, %broadcast_in_dim3A_739, %select_n3A_735 : vector<16xi1>, vector<16xi32>
      %gt3A_741 = arith.cmpf ogt, %get3A_708, %select_n3A_737 : vector<16xf32>
      %select_n3A_742 = arith.select %gt3A_741, %get3A_708, %select_n3A_737 : vector<16xi1>, vector<16xf32>
      %jit3A_743 = arith.constant 7 : i32
      %broadcast_in_dim3A_744 = vector.broadcast %jit3A_743 : i32 to vector<16xi32>
      %select_n3A_745 = arith.select %gt3A_741, %broadcast_in_dim3A_744, %select_n3A_740 : vector<16xi1>, vector<16xi32>
      %broadcast_in_dim3A_746 = arith.constant 0xFF800000 : f32
      %broadcast_in_dim3A_747 = vector.broadcast %broadcast_in_dim3A_746 : f32 to vector<16xf32>
      %eq3A_748 = arith.constant 0 : i32
      %eq3A_749 = vector.broadcast %eq3A_748 : i32 to vector<16xi32>
      %eq3A_750 = arith.cmpi eq, %select_n3A_745, %eq3A_749 : vector<16xi32>
      %select_n3A_751 = arith.select %eq3A_750, %broadcast_in_dim3A_747, %get3A_666 : vector<16xi1>, vector<16xf32>
      %broadcast_in_dim3A_752 = arith.constant 0 : i32
      %broadcast_in_dim3A_753 = vector.broadcast %broadcast_in_dim3A_752 : i32 to vector<16xi32>
      %eq3A_754 = arith.constant 1 : i32
      %eq3A_755 = vector.broadcast %eq3A_754 : i32 to vector<16xi32>
      %eq3A_756 = arith.cmpi eq, %select_n3A_745, %eq3A_755 : vector<16xi32>
      %select_n3A_757 = arith.select %eq3A_756, %broadcast_in_dim3A_747, %get3A_672 : vector<16xi1>, vector<16xf32>
      %gt3A_758 = arith.cmpf ogt, %select_n3A_757, %select_n3A_751 : vector<16xf32>
      %select_n3A_759 = arith.select %gt3A_758, %select_n3A_757, %select_n3A_751 : vector<16xi1>, vector<16xf32>
      %jit3A_760 = arith.constant 1 : i32
      %broadcast_in_dim3A_761 = vector.broadcast %jit3A_760 : i32 to vector<16xi32>
      %select_n3A_762 = arith.select %gt3A_758, %broadcast_in_dim3A_761, %broadcast_in_dim3A_753 : vector<16xi1>, vector<16xi32>
      %eq3A_763 = arith.constant 2 : i32
      %eq3A_764 = vector.broadcast %eq3A_763 : i32 to vector<16xi32>
      %eq3A_765 = arith.cmpi eq, %select_n3A_745, %eq3A_764 : vector<16xi32>
      %select_n3A_766 = arith.select %eq3A_765, %broadcast_in_dim3A_747, %get3A_678 : vector<16xi1>, vector<16xf32>
      %gt3A_767 = arith.cmpf ogt, %select_n3A_766, %select_n3A_759 : vector<16xf32>
      %select_n3A_768 = arith.select %gt3A_767, %select_n3A_766, %select_n3A_759 : vector<16xi1>, vector<16xf32>
      %jit3A_769 = arith.constant 2 : i32
      %broadcast_in_dim3A_770 = vector.broadcast %jit3A_769 : i32 to vector<16xi32>
      %select_n3A_771 = arith.select %gt3A_767, %broadcast_in_dim3A_770, %select_n3A_762 : vector<16xi1>, vector<16xi32>
      %eq3A_772 = arith.constant 3 : i32
      %eq3A_773 = vector.broadcast %eq3A_772 : i32 to vector<16xi32>
      %eq3A_774 = arith.cmpi eq, %select_n3A_745, %eq3A_773 : vector<16xi32>
      %select_n3A_775 = arith.select %eq3A_774, %broadcast_in_dim3A_747, %get3A_684 : vector<16xi1>, vector<16xf32>
      %gt3A_776 = arith.cmpf ogt, %select_n3A_775, %select_n3A_768 : vector<16xf32>
      %select_n3A_777 = arith.select %gt3A_776, %select_n3A_775, %select_n3A_768 : vector<16xi1>, vector<16xf32>
      %jit3A_778 = arith.constant 3 : i32
      %broadcast_in_dim3A_779 = vector.broadcast %jit3A_778 : i32 to vector<16xi32>
      %select_n3A_780 = arith.select %gt3A_776, %broadcast_in_dim3A_779, %select_n3A_771 : vector<16xi1>, vector<16xi32>
      %eq3A_781 = arith.constant 4 : i32
      %eq3A_782 = vector.broadcast %eq3A_781 : i32 to vector<16xi32>
      %eq3A_783 = arith.cmpi eq, %select_n3A_745, %eq3A_782 : vector<16xi32>
      %select_n3A_784 = arith.select %eq3A_783, %broadcast_in_dim3A_747, %get3A_690 : vector<16xi1>, vector<16xf32>
      %gt3A_785 = arith.cmpf ogt, %select_n3A_784, %select_n3A_777 : vector<16xf32>
      %select_n3A_786 = arith.select %gt3A_785, %select_n3A_784, %select_n3A_777 : vector<16xi1>, vector<16xf32>
      %jit3A_787 = arith.constant 4 : i32
      %broadcast_in_dim3A_788 = vector.broadcast %jit3A_787 : i32 to vector<16xi32>
      %select_n3A_789 = arith.select %gt3A_785, %broadcast_in_dim3A_788, %select_n3A_780 : vector<16xi1>, vector<16xi32>
      %eq3A_790 = arith.constant 5 : i32
      %eq3A_791 = vector.broadcast %eq3A_790 : i32 to vector<16xi32>
      %eq3A_792 = arith.cmpi eq, %select_n3A_745, %eq3A_791 : vector<16xi32>
      %select_n3A_793 = arith.select %eq3A_792, %broadcast_in_dim3A_747, %get3A_696 : vector<16xi1>, vector<16xf32>
      %gt3A_794 = arith.cmpf ogt, %select_n3A_793, %select_n3A_786 : vector<16xf32>
      %select_n3A_795 = arith.select %gt3A_794, %select_n3A_793, %select_n3A_786 : vector<16xi1>, vector<16xf32>
      %jit3A_796 = arith.constant 5 : i32
      %broadcast_in_dim3A_797 = vector.broadcast %jit3A_796 : i32 to vector<16xi32>
      %select_n3A_798 = arith.select %gt3A_794, %broadcast_in_dim3A_797, %select_n3A_789 : vector<16xi1>, vector<16xi32>
      %eq3A_799 = arith.constant 6 : i32
      %eq3A_800 = vector.broadcast %eq3A_799 : i32 to vector<16xi32>
      %eq3A_801 = arith.cmpi eq, %select_n3A_745, %eq3A_800 : vector<16xi32>
      %select_n3A_802 = arith.select %eq3A_801, %broadcast_in_dim3A_747, %get3A_702 : vector<16xi1>, vector<16xf32>
      %gt3A_803 = arith.cmpf ogt, %select_n3A_802, %select_n3A_795 : vector<16xf32>
      %select_n3A_804 = arith.select %gt3A_803, %select_n3A_802, %select_n3A_795 : vector<16xi1>, vector<16xf32>
      %jit3A_805 = arith.constant 6 : i32
      %broadcast_in_dim3A_806 = vector.broadcast %jit3A_805 : i32 to vector<16xi32>
      %select_n3A_807 = arith.select %gt3A_803, %broadcast_in_dim3A_806, %select_n3A_798 : vector<16xi1>, vector<16xi32>
      %eq3A_808 = arith.constant 7 : i32
      %eq3A_809 = vector.broadcast %eq3A_808 : i32 to vector<16xi32>
      %eq3A_810 = arith.cmpi eq, %select_n3A_745, %eq3A_809 : vector<16xi32>
      %select_n3A_811 = arith.select %eq3A_810, %broadcast_in_dim3A_747, %get3A_708 : vector<16xi1>, vector<16xf32>
      %gt3A_812 = arith.cmpf ogt, %select_n3A_811, %select_n3A_804 : vector<16xf32>
      %select_n3A_813 = arith.select %gt3A_812, %select_n3A_811, %select_n3A_804 : vector<16xi1>, vector<16xf32>
      %jit3A_814 = arith.constant 7 : i32
      %broadcast_in_dim3A_815 = vector.broadcast %jit3A_814 : i32 to vector<16xi32>
      %select_n3A_816 = arith.select %gt3A_812, %broadcast_in_dim3A_815, %select_n3A_807 : vector<16xi1>, vector<16xi32>
      %sub3A_817 = arith.subf %get3A_666, %select_n3A_742 : vector<16xf32>
      %exp3A_818 = math.exp %sub3A_817 : vector<16xf32>
      %sub3A_819 = arith.subf %get3A_672, %select_n3A_742 : vector<16xf32>
      %exp3A_820 = math.exp %sub3A_819 : vector<16xf32>
      %sub3A_821 = arith.subf %get3A_678, %select_n3A_742 : vector<16xf32>
      %exp3A_822 = math.exp %sub3A_821 : vector<16xf32>
      %sub3A_823 = arith.subf %get3A_684, %select_n3A_742 : vector<16xf32>
      %exp3A_824 = math.exp %sub3A_823 : vector<16xf32>
      %sub3A_825 = arith.subf %get3A_690, %select_n3A_742 : vector<16xf32>
      %exp3A_826 = math.exp %sub3A_825 : vector<16xf32>
      %sub3A_827 = arith.subf %get3A_696, %select_n3A_742 : vector<16xf32>
      %exp3A_828 = math.exp %sub3A_827 : vector<16xf32>
      %sub3A_829 = arith.subf %get3A_702, %select_n3A_742 : vector<16xf32>
      %exp3A_830 = math.exp %sub3A_829 : vector<16xf32>
      %sub3A_831 = arith.subf %get3A_708, %select_n3A_742 : vector<16xf32>
      %exp3A_832 = math.exp %sub3A_831 : vector<16xf32>
      %add3A_833 = arith.addf %exp3A_818, %exp3A_820 : vector<16xf32>
      %add3A_834 = arith.addf %add3A_833, %exp3A_822 : vector<16xf32>
      %add3A_835 = arith.addf %add3A_834, %exp3A_824 : vector<16xf32>
      %add3A_836 = arith.addf %add3A_835, %exp3A_826 : vector<16xf32>
      %add3A_837 = arith.addf %add3A_836, %exp3A_828 : vector<16xf32>
      %add3A_838 = arith.addf %add3A_837, %exp3A_830 : vector<16xf32>
      %add3A_839 = arith.addf %add3A_838, %exp3A_832 : vector<16xf32>
      %broadcast_in_dim3A_840 = arith.constant 1.000000e+00 : f32
      %broadcast_in_dim3A_841 = vector.broadcast %broadcast_in_dim3A_840 : f32 to vector<16xf32>
      %div3A_842 = arith.divf %broadcast_in_dim3A_841, %add3A_839 : vector<16xf32>
      %add3A_843 = vector.broadcast %mul3A_15 : i32 to vector<16xi32>
      %add3A_844 = arith.addi %add3A_843, %iota3A : vector<16xi32>
      %mul3A_845 = arith.constant 4 : i32
      %mul3A_846 = vector.broadcast %mul3A_845 : i32 to vector<16xi32>
      %mul3A_847 = arith.muli %add3A_844, %mul3A_846 : vector<16xi32>
      %add3A_848 = arith.constant 3 : i32
      %add3A_849 = vector.broadcast %add3A_848 : i32 to vector<16xi32>
      %add3A_850 = arith.addi %mul3A_847, %add3A_849 : vector<16xi32>
      %broadcast_in_dim3A_851 = arith.constant 0 : i32
      %broadcast_in_dim3A_852 = vector.broadcast %broadcast_in_dim3A_851 : i32 to vector<16xi32>
      tpu.vector_store_idx %arg10[%broadcast_in_dim3A_852, %add3A_850], %get3A_666 : memref<8x1024xf32, #tpu.memory_space<vmem>>[vector<16xi32>, vector<16xi32>], vector<16xf32>,
      %mul3A_853 = arith.mulf %exp3A_818, %div3A_842 : vector<16xf32>
      tpu.vector_store_idx %arg11[%broadcast_in_dim3A_852, %add3A_850], %mul3A_853 : memref<8x1024xf32, #tpu.memory_space<vmem>>[vector<16xi32>, vector<16xi32>], vector<16xf32>,
      %broadcast_in_dim3A_854 = arith.constant 1 : i32
      %broadcast_in_dim3A_855 = vector.broadcast %broadcast_in_dim3A_854 : i32 to vector<16xi32>
      tpu.vector_store_idx %arg10[%broadcast_in_dim3A_855, %add3A_850], %get3A_672 : memref<8x1024xf32, #tpu.memory_space<vmem>>[vector<16xi32>, vector<16xi32>], vector<16xf32>,
      %mul3A_856 = arith.mulf %exp3A_820, %div3A_842 : vector<16xf32>
      tpu.vector_store_idx %arg11[%broadcast_in_dim3A_855, %add3A_850], %mul3A_856 : memref<8x1024xf32, #tpu.memory_space<vmem>>[vector<16xi32>, vector<16xi32>], vector<16xf32>,
      %broadcast_in_dim3A_857 = arith.constant 2 : i32
      %broadcast_in_dim3A_858 = vector.broadcast %broadcast_in_dim3A_857 : i32 to vector<16xi32>
      tpu.vector_store_idx %arg10[%broadcast_in_dim3A_858, %add3A_850], %get3A_678 : memref<8x1024xf32, #tpu.memory_space<vmem>>[vector<16xi32>, vector<16xi32>], vector<16xf32>,
      %mul3A_859 = arith.mulf %exp3A_822, %div3A_842 : vector<16xf32>
      tpu.vector_store_idx %arg11[%broadcast_in_dim3A_858, %add3A_850], %mul3A_859 : memref<8x1024xf32, #tpu.memory_space<vmem>>[vector<16xi32>, vector<16xi32>], vector<16xf32>,
      %broadcast_in_dim3A_860 = arith.constant 3 : i32
      %broadcast_in_dim3A_861 = vector.broadcast %broadcast_in_dim3A_860 : i32 to vector<16xi32>
      tpu.vector_store_idx %arg10[%broadcast_in_dim3A_861, %add3A_850], %get3A_684 : memref<8x1024xf32, #tpu.memory_space<vmem>>[vector<16xi32>, vector<16xi32>], vector<16xf32>,
      %mul3A_862 = arith.mulf %exp3A_824, %div3A_842 : vector<16xf32>
      tpu.vector_store_idx %arg11[%broadcast_in_dim3A_861, %add3A_850], %mul3A_862 : memref<8x1024xf32, #tpu.memory_space<vmem>>[vector<16xi32>, vector<16xi32>], vector<16xf32>,
      %broadcast_in_dim3A_863 = arith.constant 4 : i32
      %broadcast_in_dim3A_864 = vector.broadcast %broadcast_in_dim3A_863 : i32 to vector<16xi32>
      tpu.vector_store_idx %arg10[%broadcast_in_dim3A_864, %add3A_850], %get3A_690 : memref<8x1024xf32, #tpu.memory_space<vmem>>[vector<16xi32>, vector<16xi32>], vector<16xf32>,
      %mul3A_865 = arith.mulf %exp3A_826, %div3A_842 : vector<16xf32>
      tpu.vector_store_idx %arg11[%broadcast_in_dim3A_864, %add3A_850], %mul3A_865 : memref<8x1024xf32, #tpu.memory_space<vmem>>[vector<16xi32>, vector<16xi32>], vector<16xf32>,
      %broadcast_in_dim3A_866 = arith.constant 5 : i32
      %broadcast_in_dim3A_867 = vector.broadcast %broadcast_in_dim3A_866 : i32 to vector<16xi32>
      tpu.vector_store_idx %arg10[%broadcast_in_dim3A_867, %add3A_850], %get3A_696 : memref<8x1024xf32, #tpu.memory_space<vmem>>[vector<16xi32>, vector<16xi32>], vector<16xf32>,
      %mul3A_868 = arith.mulf %exp3A_828, %div3A_842 : vector<16xf32>
      tpu.vector_store_idx %arg11[%broadcast_in_dim3A_867, %add3A_850], %mul3A_868 : memref<8x1024xf32, #tpu.memory_space<vmem>>[vector<16xi32>, vector<16xi32>], vector<16xf32>,
      %broadcast_in_dim3A_869 = arith.constant 6 : i32
      %broadcast_in_dim3A_870 = vector.broadcast %broadcast_in_dim3A_869 : i32 to vector<16xi32>
      tpu.vector_store_idx %arg10[%broadcast_in_dim3A_870, %add3A_850], %get3A_702 : memref<8x1024xf32, #tpu.memory_space<vmem>>[vector<16xi32>, vector<16xi32>], vector<16xf32>,
      %mul3A_871 = arith.mulf %exp3A_830, %div3A_842 : vector<16xf32>
      tpu.vector_store_idx %arg11[%broadcast_in_dim3A_870, %add3A_850], %mul3A_871 : memref<8x1024xf32, #tpu.memory_space<vmem>>[vector<16xi32>, vector<16xi32>], vector<16xf32>,
      %broadcast_in_dim3A_872 = arith.constant 7 : i32
      %broadcast_in_dim3A_873 = vector.broadcast %broadcast_in_dim3A_872 : i32 to vector<16xi32>
      tpu.vector_store_idx %arg10[%broadcast_in_dim3A_873, %add3A_850], %get3A_708 : memref<8x1024xf32, #tpu.memory_space<vmem>>[vector<16xi32>, vector<16xi32>], vector<16xf32>,
      %mul3A_874 = arith.mulf %exp3A_832, %div3A_842 : vector<16xf32>
      tpu.vector_store_idx %arg11[%broadcast_in_dim3A_873, %add3A_850], %mul3A_874 : memref<8x1024xf32, #tpu.memory_space<vmem>>[vector<16xi32>, vector<16xi32>], vector<16xf32>,
      %broadcast_in_dim3A_875 = arith.constant 0 : i32
      %broadcast_in_dim3A_876 = vector.broadcast %broadcast_in_dim3A_875 : i32 to vector<16xi32>
      tpu.vector_store_idx %arg12[%broadcast_in_dim3A_876, %add3A_850], %select_n3A_745 : memref<2x1024xi32, #tpu.memory_space<vmem>>[vector<16xi32>, vector<16xi32>], vector<16xi32>,
      %broadcast_in_dim3A_877 = arith.constant 1 : i32
      %broadcast_in_dim3A_878 = vector.broadcast %broadcast_in_dim3A_877 : i32 to vector<16xi32>
      tpu.vector_store_idx %arg12[%broadcast_in_dim3A_878, %add3A_850], %select_n3A_816 : memref<2x1024xi32, #tpu.memory_space<vmem>>[vector<16xi32>, vector<16xi32>], vector<16xi32>,
    }
    %scan3A_12 = arith.constant 16 : i32
    "tpu.region"() ({
      %run_scoped3A_13 = tpu.sem_alloc : memref<!tpu.dma_semaphore, #tpu.memory_space<semaphore_mem>>
      %dma_start3A = arith.constant 0 : i32
      %dma_start3A_14 = tpu.memref_slice %arg6[%dma_start3A, %mul3A_4] : memref<8x32768xf32, #tpu.memory_space<hbm>> -> memref<8x1024xf32, #tpu.memory_space<hbm>>
      %dma_start3A_15 = arith.constant 0 : i32
      %dma_start3A_16 = tpu.memref_slice %arg6[%dma_start3A_15, %mul3A_4] : memref<8x32768xf32, #tpu.memory_space<hbm>> -> memref<8x1024xf32, #tpu.memory_space<hbm>>
      tpu.enqueue_dma source(%arg10 : memref<8x1024xf32, #tpu.memory_space<vmem>>) target(%dma_start3A_16 : memref<8x1024xf32, #tpu.memory_space<hbm>>) target_semaphore(%run_scoped3A_13 : memref<!tpu.dma_semaphore, #tpu.memory_space<semaphore_mem>>)
      %dma_wait3A = arith.constant 0 : i32
      %dma_wait3A_17 = tpu.memref_slice %arg6[%dma_wait3A, %mul3A_4] : memref<8x32768xf32, #tpu.memory_space<hbm>> -> memref<8x1024xf32, #tpu.memory_space<hbm>>
      %dma_wait3A_18 = arith.constant 0 : i32
      %dma_wait3A_19 = tpu.memref_slice %arg6[%dma_wait3A_18, %mul3A_4] : memref<8x32768xf32, #tpu.memory_space<hbm>> -> memref<8x1024xf32, #tpu.memory_space<hbm>>
      tpu.wait_dma2 semaphore(%run_scoped3A_13 : memref<!tpu.dma_semaphore, #tpu.memory_space<semaphore_mem>>) src(%arg10 : memref<8x1024xf32, #tpu.memory_space<vmem>>) dst(%dma_wait3A_19 : memref<8x1024xf32, #tpu.memory_space<hbm>>)
      tpu.yield
    }) : () -> ()
    "tpu.region"() ({
      %run_scoped3A_13 = tpu.sem_alloc : memref<!tpu.dma_semaphore, #tpu.memory_space<semaphore_mem>>
      %dma_start3A = arith.constant 0 : i32
      %dma_start3A_14 = tpu.memref_slice %arg7[%dma_start3A, %mul3A_4] : memref<8x32768xf32, #tpu.memory_space<hbm>> -> memref<8x1024xf32, #tpu.memory_space<hbm>>
      %dma_start3A_15 = arith.constant 0 : i32
      %dma_start3A_16 = tpu.memref_slice %arg7[%dma_start3A_15, %mul3A_4] : memref<8x32768xf32, #tpu.memory_space<hbm>> -> memref<8x1024xf32, #tpu.memory_space<hbm>>
      tpu.enqueue_dma source(%arg11 : memref<8x1024xf32, #tpu.memory_space<vmem>>) target(%dma_start3A_16 : memref<8x1024xf32, #tpu.memory_space<hbm>>) target_semaphore(%run_scoped3A_13 : memref<!tpu.dma_semaphore, #tpu.memory_space<semaphore_mem>>)
      %dma_wait3A = arith.constant 0 : i32
      %dma_wait3A_17 = tpu.memref_slice %arg7[%dma_wait3A, %mul3A_4] : memref<8x32768xf32, #tpu.memory_space<hbm>> -> memref<8x1024xf32, #tpu.memory_space<hbm>>
      %dma_wait3A_18 = arith.constant 0 : i32
      %dma_wait3A_19 = tpu.memref_slice %arg7[%dma_wait3A_18, %mul3A_4] : memref<8x32768xf32, #tpu.memory_space<hbm>> -> memref<8x1024xf32, #tpu.memory_space<hbm>>
      tpu.wait_dma2 semaphore(%run_scoped3A_13 : memref<!tpu.dma_semaphore, #tpu.memory_space<semaphore_mem>>) src(%arg11 : memref<8x1024xf32, #tpu.memory_space<vmem>>) dst(%dma_wait3A_19 : memref<8x1024xf32, #tpu.memory_space<hbm>>)
      tpu.yield
    }) : () -> ()
    "tpu.region"() ({
      %run_scoped3A_13 = tpu.sem_alloc : memref<!tpu.dma_semaphore, #tpu.memory_space<semaphore_mem>>
      %dma_start3A = arith.constant 0 : i32
      %dma_start3A_14 = tpu.memref_slice %arg8[%dma_start3A, %mul3A_4] : memref<2x32768xi32, #tpu.memory_space<hbm>> -> memref<2x1024xi32, #tpu.memory_space<hbm>>
      %dma_start3A_15 = arith.constant 0 : i32
      %dma_start3A_16 = tpu.memref_slice %arg8[%dma_start3A_15, %mul3A_4] : memref<2x32768xi32, #tpu.memory_space<hbm>> -> memref<2x1024xi32, #tpu.memory_space<hbm>>
      tpu.enqueue_dma source(%arg12 : memref<2x1024xi32, #tpu.memory_space<vmem>>) target(%dma_start3A_16 : memref<2x1024xi32, #tpu.memory_space<hbm>>) target_semaphore(%run_scoped3A_13 : memref<!tpu.dma_semaphore, #tpu.memory_space<semaphore_mem>>)
      %dma_wait3A = arith.constant 0 : i32
      %dma_wait3A_17 = tpu.memref_slice %arg8[%dma_wait3A, %mul3A_4] : memref<2x32768xi32, #tpu.memory_space<hbm>> -> memref<2x1024xi32, #tpu.memory_space<hbm>>
      %dma_wait3A_18 = arith.constant 0 : i32
      %dma_wait3A_19 = tpu.memref_slice %arg8[%dma_wait3A_18, %mul3A_4] : memref<2x32768xi32, #tpu.memory_space<hbm>> -> memref<2x1024xi32, #tpu.memory_space<hbm>>
      tpu.wait_dma2 semaphore(%run_scoped3A_13 : memref<!tpu.dma_semaphore, #tpu.memory_space<semaphore_mem>>) src(%arg12 : memref<2x1024xi32, #tpu.memory_space<vmem>>) dst(%dma_wait3A_19 : memref<2x1024xi32, #tpu.memory_space<hbm>>)
      tpu.yield
    }) : () -> ()
    return
  }
}

module attributes {stable_mosaic.version = 14 : i64} {
  func.func @_logits_body(%arg0: i32, %arg1: memref<1024x4x768xf32, #tpu.memory_space<vmem>>, %arg2: memref<8x768xf32, #tpu.memory_space<vmem>>, %arg3: memref<1x8xf32, #tpu.memory_space<vmem>>, %arg4: memref<8x1024xf32, #tpu.memory_space<vmem>>, %arg5: memref<8x1024xf32, #tpu.memory_space<vmem>>, %arg6: memref<8x1024xf32, #tpu.memory_space<vmem>>, %arg7: memref<8x1024xf32, #tpu.memory_space<vmem>>) attributes {dimension_semantics = [#tpu.dimension_semantics<arbitrary>], iteration_bounds = array<i64: 8>, scalar_prefetch = 0 : i64, scratch_operands = 0 : i64, tpu.core_type = #tpu.core_type<tc>, window_params = [{transform_indices = @transform_0, window_bounds = array<i64: 1024, 4, 768>}, {pipeline_mode = #tpu.pipeline_mode<synchronous>, transform_indices = @transform_1, window_bounds = array<i64: 8, 768>}, {pipeline_mode = #tpu.pipeline_mode<synchronous>, transform_indices = @transform_2, window_bounds = array<i64: 1, 8>}, {transform_indices = @transform_3, window_bounds = array<i64: 8, 1024>}, {transform_indices = @transform_4, window_bounds = array<i64: 8, 1024>}, {transform_indices = @transform_5, window_bounds = array<i64: 8, 1024>}, {transform_indices = @transform_6, window_bounds = array<i64: 8, 1024>}]} {
    %get3A = arith.constant 0 : index
    %get3A_0 = arith.constant 0 : index
    %get3A_1 = vector.load %arg2[%get3A, %get3A_0] : memref<8x768xf32, #tpu.memory_space<vmem>>, vector<8x768xf32>
    %get3A_2 = arith.constant 0 : index
    %get3A_3 = arith.constant 0 : index
    %get3A_4 = vector.load %arg3[%get3A_2, %get3A_3] : memref<1x8xf32, #tpu.memory_space<vmem>>, vector<1x8xf32>
    %get3A_5 = arith.constant 0 : index
    %get3A_6 = arith.constant 0 : index
    %get3A_7 = arith.constant 0 : index
    %get3A_8 = vector.load %arg1[%get3A_5, %get3A_6, %get3A_7] : memref<1024x4x768xf32, #tpu.memory_space<vmem>>, vector<1024x1x768xf32>
    %get3A_9 = vector.shape_cast %get3A_8 : vector<1024x1x768xf32> to vector<1024x768xf32>
    %dot_general3A = arith.constant dense<0.000000e+00> : vector<1024x8xf32>
    %dot_general3A_10 = tpu.matmul %get3A_9, %get3A_1, %dot_general3A {dimension_numbers = #tpu.dot_dimension_numbers<[1], [1], [0], [0], [0, 0, 1, 0], [], []>, transpose_lhs_hint = false} : vector<1024x768xf32>, vector<8x768xf32>, vector<1024x8xf32> -> vector<1024x8xf32>
    %add3A = vector.broadcast %get3A_4 : vector<1x8xf32> to vector<1024x8xf32>
    %add3A_11 = arith.addf %dot_general3A_10, %add3A : vector<1024x8xf32>
    %transpose3A = tpu.transpose %add3A_11, [1, 0] : vector<1024x8xf32> -> vector<8x1024xf32>
    %swap3A = arith.constant 0 : index
    %swap3A_12 = arith.constant 0 : index
    %swap3A_13 = vector.load %arg4[%swap3A, %swap3A_12] : memref<8x1024xf32, #tpu.memory_space<vmem>>, vector<8x1024xf32>
    tpu.vector_store %arg4[%swap3A, %swap3A_12], %transpose3A {strides = array<i32>} : memref<8x1024xf32, #tpu.memory_space<vmem>>, vector<8x1024xf32>,
    %get3A_14 = arith.constant 0 : index
    %get3A_15 = arith.constant 1 : index
    %get3A_16 = arith.constant 0 : index
    %get3A_17 = vector.load %arg1[%get3A_14, %get3A_15, %get3A_16] : memref<1024x4x768xf32, #tpu.memory_space<vmem>>, vector<1024x1x768xf32>
    %get3A_18 = vector.shape_cast %get3A_17 : vector<1024x1x768xf32> to vector<1024x768xf32>
    %dot_general3A_19 = arith.constant dense<0.000000e+00> : vector<1024x8xf32>
    %dot_general3A_20 = tpu.matmul %get3A_18, %get3A_1, %dot_general3A_19 {dimension_numbers = #tpu.dot_dimension_numbers<[1], [1], [0], [0], [0, 0, 1, 0], [], []>, transpose_lhs_hint = false} : vector<1024x768xf32>, vector<8x768xf32>, vector<1024x8xf32> -> vector<1024x8xf32>
    %add3A_21 = vector.broadcast %get3A_4 : vector<1x8xf32> to vector<1024x8xf32>
    %add3A_22 = arith.addf %dot_general3A_20, %add3A_21 : vector<1024x8xf32>
    %transpose3A_23 = tpu.transpose %add3A_22, [1, 0] : vector<1024x8xf32> -> vector<8x1024xf32>
    %swap3A_24 = arith.constant 0 : index
    %swap3A_25 = arith.constant 0 : index
    %swap3A_26 = vector.load %arg5[%swap3A_24, %swap3A_25] : memref<8x1024xf32, #tpu.memory_space<vmem>>, vector<8x1024xf32>
    tpu.vector_store %arg5[%swap3A_24, %swap3A_25], %transpose3A_23 {strides = array<i32>} : memref<8x1024xf32, #tpu.memory_space<vmem>>, vector<8x1024xf32>,
    %get3A_27 = arith.constant 0 : index
    %get3A_28 = arith.constant 2 : index
    %get3A_29 = arith.constant 0 : index
    %get3A_30 = vector.load %arg1[%get3A_27, %get3A_28, %get3A_29] : memref<1024x4x768xf32, #tpu.memory_space<vmem>>, vector<1024x1x768xf32>
    %get3A_31 = vector.shape_cast %get3A_30 : vector<1024x1x768xf32> to vector<1024x768xf32>
    %dot_general3A_32 = arith.constant dense<0.000000e+00> : vector<1024x8xf32>
    %dot_general3A_33 = tpu.matmul %get3A_31, %get3A_1, %dot_general3A_32 {dimension_numbers = #tpu.dot_dimension_numbers<[1], [1], [0], [0], [0, 0, 1, 0], [], []>, transpose_lhs_hint = false} : vector<1024x768xf32>, vector<8x768xf32>, vector<1024x8xf32> -> vector<1024x8xf32>
    %add3A_34 = vector.broadcast %get3A_4 : vector<1x8xf32> to vector<1024x8xf32>
    %add3A_35 = arith.addf %dot_general3A_33, %add3A_34 : vector<1024x8xf32>
    %transpose3A_36 = tpu.transpose %add3A_35, [1, 0] : vector<1024x8xf32> -> vector<8x1024xf32>
    %swap3A_37 = arith.constant 0 : index
    %swap3A_38 = arith.constant 0 : index
    %swap3A_39 = vector.load %arg6[%swap3A_37, %swap3A_38] : memref<8x1024xf32, #tpu.memory_space<vmem>>, vector<8x1024xf32>
    tpu.vector_store %arg6[%swap3A_37, %swap3A_38], %transpose3A_36 {strides = array<i32>} : memref<8x1024xf32, #tpu.memory_space<vmem>>, vector<8x1024xf32>,
    %get3A_40 = arith.constant 0 : index
    %get3A_41 = arith.constant 3 : index
    %get3A_42 = arith.constant 0 : index
    %get3A_43 = vector.load %arg1[%get3A_40, %get3A_41, %get3A_42] : memref<1024x4x768xf32, #tpu.memory_space<vmem>>, vector<1024x1x768xf32>
    %get3A_44 = vector.shape_cast %get3A_43 : vector<1024x1x768xf32> to vector<1024x768xf32>
    %dot_general3A_45 = arith.constant dense<0.000000e+00> : vector<1024x8xf32>
    %dot_general3A_46 = tpu.matmul %get3A_44, %get3A_1, %dot_general3A_45 {dimension_numbers = #tpu.dot_dimension_numbers<[1], [1], [0], [0], [0, 0, 1, 0], [], []>, transpose_lhs_hint = false} : vector<1024x768xf32>, vector<8x768xf32>, vector<1024x8xf32> -> vector<1024x8xf32>
    %add3A_47 = vector.broadcast %get3A_4 : vector<1x8xf32> to vector<1024x8xf32>
    %add3A_48 = arith.addf %dot_general3A_46, %add3A_47 : vector<1024x8xf32>
    %transpose3A_49 = tpu.transpose %add3A_48, [1, 0] : vector<1024x8xf32> -> vector<8x1024xf32>
    %swap3A_50 = arith.constant 0 : index
    %swap3A_51 = arith.constant 0 : index
    %swap3A_52 = vector.load %arg7[%swap3A_50, %swap3A_51] : memref<8x1024xf32, #tpu.memory_space<vmem>>, vector<8x1024xf32>
    tpu.vector_store %arg7[%swap3A_50, %swap3A_51], %transpose3A_49 {strides = array<i32>} : memref<8x1024xf32, #tpu.memory_space<vmem>>, vector<8x1024xf32>,
    return
  }
  func.func @transform_0(%arg0: i32) -> (i32, i32, i32) {
    %c0_i32 = arith.constant 0 : i32
    %c0_i32_0 = arith.constant 0 : i32
    %c0_i32_1 = arith.constant 0 : i32
    return %arg0, %c0_i32, %c0_i32_0 : i32, i32, i32
  }
  func.func @transform_1(%arg0: i32) -> (i32, i32) {
    %c0_i32 = arith.constant 0 : i32
    %c0_i32_0 = arith.constant 0 : i32
    %c0_i32_1 = arith.constant 0 : i32
    return %c0_i32, %c0_i32_0 : i32, i32
  }
  func.func @transform_2(%arg0: i32) -> (i32, i32) {
    %c0_i32 = arith.constant 0 : i32
    %c0_i32_0 = arith.constant 0 : i32
    %c0_i32_1 = arith.constant 0 : i32
    return %c0_i32, %c0_i32_0 : i32, i32
  }
  func.func @transform_3(%arg0: i32) -> (i32, i32) {
    %c0_i32 = arith.constant 0 : i32
    %c0_i32_0 = arith.constant 0 : i32
    return %c0_i32, %arg0 : i32, i32
  }
  func.func @transform_4(%arg0: i32) -> (i32, i32) {
    %c0_i32 = arith.constant 0 : i32
    %c0_i32_0 = arith.constant 0 : i32
    return %c0_i32, %arg0 : i32, i32
  }
  func.func @transform_5(%arg0: i32) -> (i32, i32) {
    %c0_i32 = arith.constant 0 : i32
    %c0_i32_0 = arith.constant 0 : i32
    return %c0_i32, %arg0 : i32, i32
  }
  func.func @transform_6(%arg0: i32) -> (i32, i32) {
    %c0_i32 = arith.constant 0 : i32
    %c0_i32_0 = arith.constant 0 : i32
    return %c0_i32, %arg0 : i32, i32
  }
}

</mosaic_0001>

<sc_bundles>
// kernel: kernel.4.cloned.1.call-start
scs
__scs_entry_jumppad:
0x0: {  	(pc) =	sbr.rel $0x88, $3  }
0x1: {  	(tag) =	ssettag $0x0;
	lr =	simm.s32 $0x1  }
0x2: {  	[smem:$0x3F9E] =	sst lr;
	_ =	strace $0xD0000000  }
0x3: {  	_ = 	snop  }
0x4: {  	_ = 	snop  }
0x5: {  	_ = 	snop  }
0x6: {  	_ = 	snop  }
0x7: {  	_ = 	snop  }
__scs_overlays_trampoline_lowered:
0x8: {  	[smem:$0x3FAD] =	sst s0  }
0x9: {  	[smem:$0x3FAE] =	sst s1  }
0xa: {  	[smem:$0x3FAF] =	sst s2  }
0xb: {  	[smem:$0x3FB0] =	sst s3  }
0xc: {  	[smem:$0x3FB1] =	sst s4  }
0xd: {  	[smem:$0x3FB2] =	sst s5  }
0xe: {  	[smem:$0x3FB3] =	sst s6  }
0xf: {  	[smem:$0x3FB4] =	sst s7  }
0x10: {  	[smem:$0x3FB5] =	sst s8  }
0x11: {  	[smem:$0x3FB6] =	sst s9;
	s0 =	simm.s32 @!p0 $0x0  }
0x12: {  	s1 =	sld [smem:$0x3F9C];
	s0 =	simm.s32 @p0 $0x1  }
0x13: {  	[smem:$0x3FB7] =	sst s0;
	s0 =	simm.s32 @!p1 $0x0  }
0x14: {  	s2 =	sld [smem:$0x3F9B];
	s0 =	simm.s32 @p1 $0x1  }
0x15: {  	[smem:$0x3FB8] =	sst s0;
	s0 =	simm.s32 @!p2 $0x0  }
0x16: {  	s3 =	sld [smem:$0x3FDB];
	s0 =	simm.s32 @p2 $0x1  }
0x17: {  	s4 =	simm.s32 $0x1BF5;
	[smem:$0x3FBA] =	sst s0  }
0x18: {  	s0 =	sld [smem:$0x3F9D];
	_ =	swait.ge [sflag:s4], $0x0  }
0x19: {  	s7 =	sld [smem:$0x3F9E]  }
0x1a: {  	s8 =	sadd.s32 $0xFFFFE003, lr  }
0x1b: {  	s9 =	sadd.s32 $0xFFFFFEF7, lr;
	s5 =	simm.s32 $0xFFFFFFFF;
	p2 =	slt.u32 s8, $0xFFFFF086  }
0x1c: {  	p1 =	slt.u32 s9, $0xF7A;
	s5 =	simm.s32 @!p2 $0x0  }
0x1d: {  	s5 =	simm.s32 @p1 $0x1;
	p0 =	seq.s32 s7, s2  }
0x1e: {  	s7 =	smul.u32 @!p0 $0xF7A, s2;
	p2 =	seq.s32 @!p0 s5, $0x0  }
0x1f: {  	s9 =	smul.u32 $0xF7A, s1;
	s8 =	simm.s32 @!p0 $0x1BF5;
	p2 =	por !p2, p0  }
0x20: {  	[sflag:s8] =	ssyncset.s32 @!p0 $0xFFFFF086;
	s6 =	sadd.s32 @!p0 s3, s7;
	s7 =	simm.s32 @!p0 $0x108  }
0x21: {  	s3 =	sadd.s32 s3, s9;
	s6 =	sadd.s32 @!p0 $0x88, s6;
	s7 =	simm.s32 @p2 $0x1082  }
0x22: {  	[simem:s7], [sflag:s8] =	dma.local @!p0 [hbm:s6], $0xF7A  }
0x23: {  	s9 =	sor.u32 $0xD0000000, s2;
	s6 =	simm.s32 $0x108;
	_ =	swait.ge @!p0 [sflag:s8], $0x0  }
0x24: {  	s3 =	sadd.s32 $0x88, s3;
	s6 =	simm.s32 @!p1 $0x1082;
	[sflag:s4] =	ssyncset.s32 $0xFFFFF086  }
0x25: {  	[simem:s6], [sflag:s4] =	dma.local [hbm:s3], $0xF7A  }
0x26: {  	[smem:$0x3F9E] =	sst s1;
	(tag) =	ssettag s2;
	_ =	strace s9  }
0x27: {  	s1 =	sld [smem:$0x3FAE]  }
0x28: {  	s2 =	sld [smem:$0x3FAF]  }
0x29: {  	s4 =	sld [smem:$0x3FB1]  }
0x2a: {  	p0 =	seq.s32 s5, $0x0;
	s5 =	sld [smem:$0x3FB2]  }
0x2b: {  	s6 =	sld [smem:$0x3FB3]  }
0x2c: {  	s7 =	sld [smem:$0x3FB4]  }
0x2d: {  	s3 =	simm.s32 $0x108;
	s8 =	sld [smem:$0x3FB5]  }
0x2e: {  	s3 =	simm.s32 @!p0 $0x1082;
	s9 =	sld [smem:$0x3FB6]  }
0x2f: {  	lr =	sadd.s32 s0, s3;
	s0 =	sld [smem:$0x3FAD]  }
0x30: {  	s3 =	sld [smem:$0x3FB0]  }
0x31: {  	[smem:$0x3FB9] =	sst s10  }
0x32: {  	s10 =	sld [smem:$0x3FB7];
	_ =	sdelay $0x3  }
0x33: {  	p0 =	seq.s32 s10, $0x1;
	s10 =	sld [smem:$0x3FB9];
	_ =	sdelay $0x3  }
0x34: {  	[smem:$0x3FB9] =	sst s10  }
0x35: {  	s10 =	sld [smem:$0x3FB8];
	_ =	sdelay $0x3  }
0x36: {  	p1 =	seq.s32 s10, $0x1;
	s10 =	sld [smem:$0x3FB9];
	_ =	sdelay $0x3  }
0x37: {  	[smem:$0x3FB9] =	sst s10  }
0x38: {  	s10 =	sld [smem:$0x3FBA]  }
0x39: {  	_ = 	snop;
	(pc) =	sbr.ind lr, $3  }
0x3a: {  	_ = 	snop  }
0x3b: {  	_ = 	snop  }
0x3c: {  	p2 =	seq.s32 s10, $0x1;
	s10 =	sld [smem:$0x3FB9]  }
0x3d: {  	_ =	shalt  }
0x3e: {  	_ =	shalt  }
0x3f: {  	_ =	shalt  }
0x40: {  	_ =	shalt  }
0x41: {  	_ =	shalt  }
0x42: {  	_ =	shalt  }
0x43: {  	_ =	shalt  }
0x44: {  	_ =	shalt  }
0x45: {  	_ =	shalt  }
0x46: {  	_ =	shalt  }
0x47: {  	_ =	shalt  }
0x48: {  	_ =	shalt  }
0x49: {  	_ =	shalt  }
0x4a: {  	_ =	shalt  }
0x4b: {  	_ =	shalt  }
0x4c: {  	_ =	shalt  }
0x4d: {  	_ =	shalt  }
0x4e: {  	_ =	shalt  }
0x4f: {  	_ =	shalt  }
0x50: {  	_ =	shalt  }
0x51: {  	_ =	shalt  }
0x52: {  	_ =	shalt  }
0x53: {  	_ =	shalt  }
0x54: {  	_ =	shalt  }
0x55: {  	_ =	shalt  }
0x56: {  	_ =	shalt  }
0x57: {  	_ =	shalt  }
0x58: {  	_ =	shalt  }
0x59: {  	_ =	shalt  }
0x5a: {  	_ =	shalt  }
0x5b: {  	_ =	shalt  }
0x5c: {  	_ =	shalt  }
0x5d: {  	_ =	shalt  }
0x5e: {  	_ =	shalt  }
0x5f: {  	_ =	shalt  }
0x60: {  	_ =	shalt  }
0x61: {  	_ =	shalt  }
0x62: {  	_ =	shalt  }
0x63: {  	_ =	shalt  }
0x64: {  	_ =	shalt  }
0x65: {  	_ =	shalt  }
0x66: {  	_ =	shalt  }
0x67: {  	_ =	shalt  }
0x68: {  	_ =	shalt  }
0x69: {  	_ =	shalt  }
0x6a: {  	_ =	shalt  }
0x6b: {  	_ =	shalt  }
0x6c: {  	_ =	shalt  }
0x6d: {  	_ =	shalt  }
0x6e: {  	_ =	shalt  }
0x6f: {  	_ =	shalt  }
0x70: {  	_ =	shalt  }
0x71: {  	_ =	shalt  }
0x72: {  	_ =	shalt  }
0x73: {  	_ =	shalt  }
0x74: {  	_ =	shalt  }
0x75: {  	_ =	shalt  }
0x76: {  	_ =	shalt  }
0x77: {  	_ =	shalt  }
0x78: {  	_ =	shalt  }
0x79: {  	_ =	shalt  }
0x7a: {  	_ =	shalt  }
0x7b: {  	_ =	shalt  }
0x7c: {  	_ =	shalt  }
0x7d: {  	_ =	shalt  }
0x7e: {  	_ =	shalt  }
0x7f: {  	_ =	shalt  }
0x80: {  	_ =	shalt  }
0x81: {  	_ =	shalt  }
0x82: {  	_ =	shalt  }
0x83: {  	_ =	shalt  }
0x84: {  	_ =	shalt  }
0x85: {  	_ =	shalt  }
0x86: {  	_ =	shalt  }
0x87: {  	_ =	shalt  }
.Lfunc_end0:
.L_simem_size_0:
called_computation_lowered:
.L_overlay_start_0:
0x88: {  	s2 =	sld [smem:$0x3FD9]  }
0x89: {  	s3 =	sld [smem:$0x3FFE];
	_ =	sdelay $0x1  }
0x8a: {  	s1 =	srdreg.scid  }
0x8b: {  	s0 =	sand.u32 $0x1, s1  }
0x8c: {  	s14 =	sshll.u32 s0, $0xA;
	s2 =	sadd.s32 s3, s2  }
0x8d: {  	s2 =	sadd.s32 s2, s14  }
0x8e: {  	[smem:$0x3FC5] =	sst s2  }
0x8f: {  	_ = 	snop  }
0x90: {  	s2 =	sld [smem:$0x3FD0];
	_ =	sdelay $0x2  }
0x91: {  	s15 =	simm.s32 $0xA;
	s4 =	simm.s32 $0x10  }
0x92: {  	[smem:s4], [sflag:s15] =	dma.local [hbm:s2], $0x1  }
0x93: {  	_ =	swait.eq [sflag:s15], $0x1  }
0x94: {  	s16 =	sld [smem:$0x10];
	[sflag:s15] =	ssyncset.done $0x0  }
0x95: {  	s17 =	sld [smem:$0x11];
	[sflag:s15] =	ssyncadd.s32 $0xFFFFFFFF  }
0x96: {  	s18 =	sld [smem:$0x12];
	(tm) =	ssettm $0x1  }
0x97: {  	s5 =	sld [smem:$0x3FFB];
	_ =	sdelay $0x3  }
0x98: {  	_ =	strace s5  }
0x99: {  	s5 =	sld [smem:$0x3FFC];
	_ =	sdelay $0x3  }
0x9a: {  	_ =	strace s5  }
0x9b: {  	s5 =	sld [smem:$0x3FFD];
	_ =	sdelay $0x3  }
0x9c: {  	_ =	strace s5  }
0x9d: {  	_ =	strace $0x8FFFFFFF  }
0x9e: {  	s19 =	sld [smem:$0x3FDB];
	_ =	sdelay $0x1  }
0x9f: {  	s6 =	simm.s32 $_scs_section_size  }
0xa0: {  	s7 =	simm.s32 $_size__tile_overlayer_lowered;
	s8 =	simm.s32 $_tile_overlayer_lowered  }
0xa1: {  	s22 =	simm.s32 $0x1BFF;
	s21 =	sshll.u32 s8, $0x1;
	s5 =	sadd.s32 s6, s19  }
0xa2: {  	s9 =	simm.s32 $0x0;
	s20 =	sshll.u32 s7, $0x1;
	s7 =	sadd.s32 s21, s5  }
0xa3: {  	[timem:s9], [sflag:s22] =	dma.local [hbm:s7], s20  }
0xa4: {  	_ =	swait.ge [sflag:s22], s20  }
0xa5: {  	s6 =	ssub.s32 $0x0, s20;
	[sflag:s22] =	ssyncset.done $0x0  }
0xa6: {  	[sflag:s22] =	ssyncadd.s32 s6;
	_ =	sdelay $0x1  }
0xa7: {  	s23 =	simm.s32 $0x1B8B  }
0xa8: {  	_ =	swait.ge [sflag:s23], $0x1  }
0xa9: {  	[sflag:s23] =	ssyncset.done $0x0  }
0xaa: {  	s25 =	simm.s32 $0x1B8E;
	s24 =	sld [smem:$0x3FFE];
	[sflag:s23] =	ssyncadd.s32 $0xFFFFFFFF  }
0xab: {  	s26 =	simm.s32 $execute0_lowered;
	[smem:$0x3FD2] =	sst s25  }
0xac: {  	s7 =	sshll.u32 s26, $0x1;
	_ =	strace $0x80000046;
	[dreg:$0x1] =	wrdreg $0xFFFFFFFF  }
0xad: {  	s28 =	simm.s32 $_size_execute0_lowered;
	s5 =	sadd.s32 s5, s7;
	[dreg:$0x0] =	wrdreg $0x0  }
0xae: {  	s7 =	sshll.u32 s28, $0x1;
	[dreg:$0x2] =	wrdreg s5  }
0xaf: {  	[dreg:$0x3] =	wrdreg s7  }
0xb0: {  	[dreg:$0x4] =	wrdreg $0xC0  }
0xb1: {  	_ =	task [dreg:s9], $0x5FFFF  }
0xb2: {  	[dreg:$0x1] =	wrdreg $0xFFFFFFFF  }
0xb3: {  	[dreg:$0x0] =	wrdreg $0x60  }
0xb4: {  	[dreg:$0x2] =	wrdreg s24  }
0xb5: {  	[dreg:$0x3] =	wrdreg s16  }
0xb6: {  	[dreg:$0x4] =	wrdreg s17  }
0xb7: {  	[dreg:$0x5] =	wrdreg s18  }
0xb8: {  	[dreg:$0x6] =	wrdreg $0x9  }
0xb9: {  	_ =	task.clear_ibuf [dreg:s9], $0x7FFFF;
	_ =	strace $0x90000046  }
0xba: {  	s29 =	simm.s32 $0x9;
	_ =	strace $0x80000048  }
0xbb: {  	_ =	swait.ge [sflag:s29], $0x1  }
0xbc: {  	[sflag:s29] =	ssyncadd.s32 $0xFFFFFFFF  }
0xbd: {  	_ =	strace $0x90000048  }
0xbe: {  	_ =	sfence  }
0xbf: {  	s30 =	sld [smem:$0x0];
	_ =	sdelay $0x2  }
0xc0: {  	s31 =	sshll.u32 s1, $0xD;
	s1 =	sshrl.u32 s1, $0x2  }
0xc1: {  	s3 =	sand.u32 $0x4000, s31;
	s1 =	sadd.s32 s1, s30  }
0xc2: {  	s0 =	sor.u32 s3, s0;
	s1 =	sshll.u32 s1, $0x11  }
0xc3: {  	s0 =	sor.u32 s1, s0  }
0xc4: {  	s0 =	sadd.s32 $0x8F2B, s0  }
0xc5: {  	[sflag:s0] =	ssyncadd.remote.s32 $0x1  }
0xc6: {  	_ =	sfence.sel $0xFFFF  }
0xc7: {  	[dreg:$0x0] =	wrdreg $0xFFFFFFFF;
	(pc) =	sbr.abs _section_cstart, $3  }
0xc8: {  	[dreg:$0x1] =	wrdreg $0xFFFFFFFF  }
0xc9: {  	_ =	task.clear_ibuf [dreg:s9], $0x2FFFF;
	_ =	strace $0x9FFFFFFF  }
0xca: {  	(tm) =	ssettm $0x7FFFFFFF  }
0xcb: {  	_ =	shalt  }
tec
execute0_lowered:
.L_overlay_start_1:
0x0: {  	(tag) =	ssettag $0x1  }
0x1: {  	s3 =	rddreg [dreg:$0x0]  }
0x2: {  	s7 =	rddreg [dreg:$0x1]  }
0x3: {  	s8 =	rddreg [dreg:$0x2]  }
0x4: {  	s1 =	srdreg.scid;
	s0 =	stileid.u32  }
0x5: {  	s9 =	rddreg [dreg:$0x3];
	s2 =	simm.s32 $0x0;
	s13 =	simm.s32 $0x1000  }
0x6: {  	s14 =	simm.s32 $0x1800;
	s15 =	simm.s32 $0x2000;
	s16 =	simm.s32 $0x4000  }
0x7: {  	s17 =	simm.s32 $0x6000;
	s4 =	sand.u32 $0x1, s1;
	s1 =	rddreg [dreg:$0x4]  }
0x8: {  	s18 =	simm.s32 $0x0;
	s5 =	sshll.u32 s0, $0x1;
	[smem:$0x7FF] =	sst s2  }
0x9: {  	s10 =	sor.u32 s4, s5;
	s4 =	ssub.s32 $0x2, s4;
	_ =	strace $0x80000047  }
0xa: {  	s11 =	sshll.u32 s10, $0x8;
	s31 =	sshrl.u32 s4, $0x1;
	s10 =	sshll.u32 s10, $0xA  }
0xb: {  	s6 =	sadd.s32 s11, s3;
	s12 =	ssub.s32 s4, s31;
	s7 =	sadd.s32 s7, s10  }
0xc: {  	s8 =	sadd.s32 s8, s10;
	s9 =	sadd.s32 s9, s11;
	s11 =	simm.s32 $0x1  }
0xd: {  	v1 =	vlaneseq.u32;
	s3 =	sadd.s32 $0x1600, s6;
	s4 =	sadd.s32 $0x3600, s6;
	s5 =	sadd.s32 $0x5600, s6  }
0xe: {  	v0 =	vimm.s32 $0x0;
	v1 =	vmul.u32 $0x4, v1;
	s6 =	sadd.s32 $0x7600, s6;
	s10 =	smax.u32 s12, $0x1;
	s12 =	simm.s32 $0x800  }
.LBB2_1:
0xf: {  	[tilespmem:s2], [sflag:$0x1] =	stream.linear.gather [hbm4b:s3+s2], $0x800, $0x38;
	[tilespmem:$0x6800] =	vst v63  }
0x10: {  	_ =	swait.ge [sflag:s11], $0x800  }
0x11: {  	[sflag:s11] =	ssyncset.done $0x0  }
0x12: {  	[sflag:s11] =	ssyncadd.s32 $0xFFFFF800  }
0x13: {  	[tilespmem:s12], [sflag:$0x1] =	stream.linear.gather [hbm4b:s4+s2], $0x800, $0x38;
	[tilespmem:$0x6800] =	vst v63  }
0x14: {  	_ =	swait.ge [sflag:s11], $0x800  }
0x15: {  	[sflag:s11] =	ssyncset.done $0x0  }
0x16: {  	[sflag:s11] =	ssyncadd.s32 $0xFFFFF800  }
0x17: {  	[tilespmem:s13], [sflag:$0x1] =	stream.linear.gather [hbm4b:s5+s2], $0x800, $0x38;
	[tilespmem:$0x6800] =	vst v63  }
0x18: {  	_ =	swait.ge [sflag:s11], $0x800  }
0x19: {  	[sflag:s11] =	ssyncset.done $0x0  }
0x1a: {  	[sflag:s11] =	ssyncadd.s32 $0xFFFFF800  }
0x1b: {  	[tilespmem:s14], [sflag:$0x1] =	stream.linear.gather [hbm4b:s6+s2], $0x800, $0x38;
	[tilespmem:$0x6800] =	vst v63  }
0x1c: {  	_ =	swait.ge [sflag:s11], $0x800  }
0x1d: {  	[sflag:s11] =	ssyncset.done $0x0  }
0x1e: {  	s19 =	simm.s32 $0x0;
	s20 =	simm.s32 $0x0;
	[sflag:s11] =	ssyncadd.s32 $0xFFFFF800  }
.LBB2_2:
0x1f: {  	s21 =	sand.u32 $0x70, s20;
	s22 =	sand.u32 $0x400, s19  }
0x20: {  	s21 =	sor.u32 s21, s22  }
0x21: {  	v6 =	vld [tilespmem:s21+$0x0]  }
0x22: {  	v7 =	vld [tilespmem:s21+$0x80];
	_ =	sdelay $0x1  }
0x23: {  	v8 =	vld [tilespmem:s21+$0x100];
	_ =	sdelay $0x1  }
0x24: {  	v9 =	vld [tilespmem:s21+$0x180]  }
0x25: {  	vm2 =	vgt.f32 v7, v6  }
0x26: {  	v10 =	vld [tilespmem:s21+$0x200];
	v2 =	vsel vm2, v7, v6  }
0x27: {  	vm3 =	vgt.f32 v8, v2  }
0x28: {  	v11 =	vld [tilespmem:s21+$0x280];
	v2 =	vsel vm3, v8, v2  }
0x29: {  	vm4 =	vgt.f32 v9, v2  }
0x2a: {  	s31 =	sor.u32 s19, s20;
	v14 =	vld [tilespmem:s21+$0x300];
	v2 =	vsel vm4, v9, v2  }
0x2b: {  	s22 =	sor.u32 $0x380, s31;
	vm5 =	vgt.f32 v10, v2  }
0x2c: {  	v13 =	vld [tilespmem:s22+$0x0];
	v2 =	vsel vm5, v10, v2  }
0x2d: {  	vm6 =	vgt.f32 v11, v2  }
0x2e: {  	v2 =	vsel vm6, v11, v2  }
0x2f: {  	vm1 =	vgt.f32 v14, v2  }
0x30: {  	v2 =	vsel vm1, v14, v2  }
0x31: {  	vm0 =	vgt.f32 v13, v2  }
0x32: {  	vm0 =	vmneg vm0  }
0x33: {  	v2 =	vsel vm0, v2, v13  }
0x34: {  	v3 =	vsub.f32 v6, v2  }
0x35: {  	v4 =	vsub.f32 v7, v2  }
0x36: {  	v3 =	vmul.f32 $1.442695020e+00, v3  }
0x37: {  	v5 =	vsub.f32 v8, v2;
	v4 =	vmul.f32 $1.442695020e+00, v4  }
0x38: {  	(erf) = vpow2.f32 v3  }
0x39: {  	v53 =	vsub.f32 v9, v2;
	v3 =	vmul.f32 $1.442695020e+00, v5;
	(erf) = vpow2.f32 v4;
	_ =	sdelay $0x1  }
0x3a: {  	v54 =	vsub.f32 v10, v2;
	(erf) = vpow2.f32 v3;
	v3 =	vmul.f32 $1.442695020e+00, v53;
	_ =	sdelay $0x1  }
0x3b: {  	v55 =	vsub.f32 v11, v2;
	(erf) = vpow2.f32 v3;
	v3 =	vmul.f32 $1.442695020e+00, v54;
	_ =	sdelay $0x1  }
0x3c: {  	v56 =	vsub.f32 v14, v2;
	(erf) = vpow2.f32 v3;
	v3 =	vmul.f32 $1.442695020e+00, v55;
	_ =	sdelay $0x1  }
0x3d: {  	v2 =	vsub.f32 v13, v2;
	v12 =	vpop (erf);
	(erf) = vpow2.f32 v3;
	v3 =	vmul.f32 $1.442695020e+00, v56  }
0x3e: {  	v15 =	vpop (erf)  }
0x3f: {  	v2 =	vmul.f32 $1.442695020e+00, v2;
	(erf) = vpow2.f32 v3;
	v3 =	vadd.f32 v15, v12  }
0x40: {  	v16 =	vpop (erf)  }
0x41: {  	(erf) = vpow2.f32 v2;
	v2 =	vadd.f32 v3, v16  }
0x42: {  	v17 =	vpop (erf)  }
0x43: {  	v2 =	vadd.f32 v2, v17  }
0x44: {  	v18 =	vpop (erf)  }
0x45: {  	v2 =	vadd.f32 v2, v18  }
0x46: {  	v19 =	vpop (erf)  }
0x47: {  	v2 =	vadd.f32 v2, v19  }
0x48: {  	v20 =	vpop (erf)  }
0x49: {  	v2 =	vadd.f32 v2, v20  }
0x4a: {  	v21 =	vpop (erf)  }
0x4b: {  	v2 =	vadd.f32 v2, v21  }
0x4c: {  	v3 =	vsel vm2, $0x1, v0  }
0x4d: {  	v3 =	vsel vm3, $0x2, v3;
	(erf) = vrcp.f32 v2  }
0x4e: {  	v2 =	vsel vm4, $0x3, v3  }
0x4f: {  	v3 =	vmov s20;
	v2 =	vsel vm5, $0x4, v2  }
0x50: {  	v57 =	vshll.u32 v3, $0x2;
	v2 =	vsel vm6, $0x5, v2  }
0x51: {  	v22 =	vshrl.u32 v3, $0x5;
	v4 =	vor.u32 v1, v57;
	v2 =	vsel vm1, $0x6, v2  }
0x52: {  	v4 =	vand.u32 $0x7C, v4;
	v23 =	vnsel vm0, $0x7, v2;
	v2 =	vshll.u32 v22, $0xA  }
0x53: {  	vm1 =	vmand vm1, vm0;
	v24 =	vor.u32 v2, v4  }
0x54: {  	v42 =	vsel vm1, $0xFF800000, v14;
	vm12 =	veq.s32 v23, $0x0;
	v3 =	vor.u32 $0x80, v2  }
0x55: {  	vm13 =	veq.s32 v23, $0x1;
	vm14 =	veq.s32 v23, $0x2;
	v26 =	vor.u32 v4, v3  }
0x56: {  	v5 =	vor.u32 $0x100, v2;
	v58 =	vsel vm12, $0xFF800000, v6;
	v25 =	vsel vm13, $0xFF800000, v7;
	v28 =	vpop (erf)  }
0x57: {  	v29 =	vor.u32 v4, v5;
	vm2 =	vgt.f32 v25, v58;
	v12 =	vmul.f32 v28, v12  }
0x58: {  	vm15 =	veq.s32 v23, $0x3;
	v25 =	vsel vm2, v25, v58;
	[tilespmem:v24+s15+$0x0] =	vst.idx.msk $0xffff, v6;
	v6 =	vor.u32 $0x180, v2  }
0x59: {  	v27 =	vsel vm14, $0xFF800000, v8;
	v60 =	vmul.f32 v28, v15;
	v61 =	vor.u32 v4, v6;
	[tilespmem:v24+s16+$0x0] =	vst.idx.msk $0xffff, v12  }
0x5a: {  	vm8 =	veq.s32 v23, $0x4;
	vm3 =	vgt.f32 v27, v25;
	[tilespmem:v26+s15+$0x0] =	vst.idx.msk $0xffff, v7;
	v7 =	vor.u32 $0x200, v2  }
0x5b: {  	vm9 =	veq.s32 v23, $0x5;
	v63 =	vmul.f32 v28, v16;
	[tilespmem:v26+s16+$0x0] =	vst.idx.msk $0xffff, v60;
	v30 =	vor.u32 v4, v7  }
0x5c: {  	v59 =	vsel vm15, $0xFF800000, v9;
	v25 =	vsel vm3, v27, v25;
	[tilespmem:v29+s15+$0x0] =	vst.idx.msk $0xffff, v8;
	v8 =	vor.u32 $0x280, v2  }
0x5d: {  	v31 =	vsel vm8, $0xFF800000, v10;
	v32 =	vmul.f32 v28, v17;
	[tilespmem:v29+s16+$0x0] =	vst.idx.msk $0xffff, v63;
	v33 =	vor.u32 v4, v8  }
0x5e: {  	v34 =	vmul.f32 v28, v18;
	v38 =	vmul.f32 v28, v19;
	[tilespmem:v61+s15+$0x0] =	vst.idx.msk $0xffff, v9;
	v9 =	vor.u32 $0x300, v2  }
0x5f: {  	v37 =	vsel vm9, $0xFF800000, v11;
	vm4 =	vgt.f32 v59, v25;
	[tilespmem:v61+s16+$0x0] =	vst.idx.msk $0xffff, v32;
	v35 =	vor.u32 v4, v9  }
0x60: {  	v40 =	vmul.f32 v28, v20;
	v25 =	vsel vm4, v59, v25;
	[tilespmem:v30+s15+$0x0] =	vst.idx.msk $0xffff, v10;
	v10 =	vor.u32 $0x380, v2  }
0x61: {  	v62 =	vsel vm2, $0x1, v0;
	vm2 =	vgt.f32 v31, v25;
	[tilespmem:v30+s16+$0x0] =	vst.idx.msk $0xffff, v34;
	v39 =	vor.u32 v4, v10  }
0x62: {  	v24 =	vsel vm3, $0x2, v62;
	v36 =	vsel vm2, v31, v25;
	[tilespmem:v33+s15+$0x0] =	vst.idx.msk $0xffff, v11;
	v11 =	vshll.u32 v22, $0x8  }
0x63: {  	vm3 =	vgt.f32 v37, v36;
	[tilespmem:v33+s16+$0x0] =	vst.idx.msk $0xffff, v38;
	v41 =	vor.u32 v11, v4;
	v12 =	vor.u32 $0x80, v11  }
0x64: {  	v24 =	vsel vm4, $0x3, v24;
	v18 =	vsel vm3, v37, v36;
	[tilespmem:v35+s15+$0x0] =	vst.idx.msk $0xffff, v14;
	v43 =	vor.u32 v4, v12  }
0x65: {  	v45 =	vmul.f32 v28, v21;
	v44 =	vsel vm2, $0x4, v24;
	vm1 =	vgt.f32 v42, v18;
	[tilespmem:v35+s16+$0x0] =	vst.idx.msk $0xffff, v40  }
0x66: {  	v47 =	vnsel vm0, $0xFF800000, v13;
	v46 =	vsel vm3, $0x5, v44;
	v18 =	vsel vm1, v42, v18;
	[tilespmem:v39+s15+$0x0] =	vst.idx.msk $0xffff, v13  }
0x67: {  	v48 =	vsel vm1, $0x6, v46;
	vm0 =	vgt.f32 v47, v18;
	[tilespmem:v39+s16+$0x0] =	vst.idx.msk $0xffff, v45  }
0x68: {  	v13 =	vsel vm0, $0x7, v48;
	[tilespmem:v41+s17+$0x0] =	vst.idx.msk $0xffff, v23  }
0x69: {  	[tilespmem:v43+s17+$0x0] =	vst.idx.msk $0xffff, v13  }
0x6a: {  	v13 =	vld [tilespmem:s21+$0x800]  }
0x6b: {  	v14 =	vld [tilespmem:s21+$0x880];
	_ =	sdelay $0x1  }
0x6c: {  	v15 =	vld [tilespmem:s21+$0x900];
	_ =	sdelay $0x1  }
0x6d: {  	v16 =	vld [tilespmem:s21+$0x980]  }
0x6e: {  	vm10 =	vgt.f32 v14, v13  }
0x6f: {  	v17 =	vld [tilespmem:s21+$0xA00];
	v49 =	vsel vm10, v14, v13  }
0x70: {  	vm11 =	vgt.f32 v15, v49  }
0x71: {  	v19 =	vld [tilespmem:s21+$0xA80];
	v18 =	vsel vm11, v15, v49  }
0x72: {  	vm12 =	vgt.f32 v16, v18  }
0x73: {  	v20 =	vld [tilespmem:s21+$0xB00];
	v18 =	vsel vm12, v16, v18  }
0x74: {  	vm13 =	vgt.f32 v17, v18  }
0x75: {  	v21 =	vld [tilespmem:s21+$0xB80];
	v18 =	vsel vm13, v17, v18  }
0x76: {  	vm14 =	vgt.f32 v19, v18  }
0x77: {  	v18 =	vsel vm14, v19, v18  }
0x78: {  	vm15 =	vgt.f32 v20, v18  }
0x79: {  	v18 =	vsel vm15, v20, v18  }
0x7a: {  	vm8 =	vgt.f32 v21, v18  }
0x7b: {  	vm0 =	vmneg vm8  }
0x7c: {  	v18 =	vsel vm0, v18, v21  }
0x7d: {  	v50 =	vsub.f32 v13, v18  }
0x7e: {  	v51 =	vsub.f32 v14, v18  }
0x7f: {  	v22 =	vmul.f32 $1.442695020e+00, v50  }
0x80: {  	v52 =	vsub.f32 v15, v18;
	v23 =	vmul.f32 $1.442695020e+00, v51  }
0x81: {  	(erf) = vpow2.f32 v22  }
0x82: {  	v54 =	vsub.f32 v16, v18;
	v53 =	vmul.f32 $1.442695020e+00, v52;
	(erf) = vpow2.f32 v23;
	_ =	sdelay $0x1  }
0x83: {  	v56 =	vsub.f32 v17, v18;
	v55 =	vmul.f32 $1.442695020e+00, v54;
	(erf) = vpow2.f32 v53;
	_ =	sdelay $0x1  }
0x84: {  	v58 =	vsub.f32 v19, v18;
	v57 =	vmul.f32 $1.442695020e+00, v56;
	(erf) = vpow2.f32 v55;
	_ =	sdelay $0x1  }
0x85: {  	v60 =	vsub.f32 v20, v18;
	v59 =	vmul.f32 $1.442695020e+00, v58;
	(erf) = vpow2.f32 v57;
	_ =	sdelay $0x1  }
0x86: {  	v18 =	vsub.f32 v21, v18;
	v62 =	vmul.f32 $1.442695020e+00, v60;
	v61 =	vpop (erf);
	(erf) = vpow2.f32 v59  }
0x87: {  	v63 =	vpop (erf)  }
0x88: {  	v18 =	vmul.f32 $1.442695020e+00, v18;
	(erf) = vpow2.f32 v62;
	v40 =	vadd.f32 v63, v61  }
0x89: {  	v41 =	vpop (erf)  }
0x8a: {  	(erf) = vpow2.f32 v18;
	v42 =	vadd.f32 v40, v41  }
0x8b: {  	v43 =	vpop (erf)  }
0x8c: {  	v18 =	vadd.f32 v42, v43  }
0x8d: {  	v44 =	vpop (erf)  }
0x8e: {  	v18 =	vadd.f32 v18, v44  }
0x8f: {  	v45 =	vpop (erf)  }
0x90: {  	v18 =	vadd.f32 v18, v45  }
0x91: {  	v46 =	vpop (erf)  }
0x92: {  	v18 =	vadd.f32 v18, v46  }
0x93: {  	v47 =	vpop (erf)  }
0x94: {  	v18 =	vadd.f32 v18, v47;
	_ =	sdelay $0x1  }
0x95: {  	(erf) = vrcp.f32 v18;
	_ =	sdelay $0x4  }
0x96: {  	v30 =	vsel vm10, $0x1, v0;
	v49 =	vor.u32 $0x1, v4  }
0x97: {  	v30 =	vsel vm11, $0x2, v30;
	v31 =	vor.u32 v2, v49  }
0x98: {  	v48 =	vsel vm12, $0x3, v30  }
0x99: {  	v34 =	vor.u32 v3, v49;
	v18 =	vsel vm13, $0x4, v48  }
0x9a: {  	v36 =	vor.u32 v5, v49;
	v26 =	vor.u32 v11, v49;
	v18 =	vsel vm14, $0x5, v18;
	v35 =	vpop (erf)  }
0x9b: {  	v28 =	vor.u32 v12, v49;
	v18 =	vsel vm15, $0x6, v18;
	v24 =	vmul.f32 v35, v61  }
0x9c: {  	[tilespmem:v31+s15+$0x0] =	vst.idx.msk $0xffff, v13;
	vm1 =	vmand vm15, vm0;
	v52 =	vor.u32 v6, v49;
	v18 =	vnsel vm0, $0x7, v18  }
0x9d: {  	vm9 =	veq.s32 v18, $0x0;
	vm10 =	veq.s32 v18, $0x1;
	v23 =	vmul.f32 v35, v63;
	[tilespmem:v31+s16+$0x0] =	vst.idx.msk $0xffff, v24  }
0x9e: {  	v54 =	vor.u32 v7, v49;
	v32 =	vsel vm9, $0xFF800000, v13;
	v33 =	vsel vm10, $0xFF800000, v14;
	[tilespmem:v34+s15+$0x0] =	vst.idx.msk $0xffff, v14  }
0x9f: {  	vm11 =	veq.s32 v18, $0x2;
	vm2 =	vgt.f32 v33, v32;
	v53 =	vmul.f32 v35, v41;
	[tilespmem:v34+s16+$0x0] =	vst.idx.msk $0xffff, v23  }
0xa0: {  	v57 =	vor.u32 v8, v49;
	v50 =	vsel vm11, $0xFF800000, v15;
	v32 =	vsel vm2, v33, v32;
	[tilespmem:v36+s15+$0x0] =	vst.idx.msk $0xffff, v15  }
0xa1: {  	vm12 =	veq.s32 v18, $0x3;
	vm3 =	vgt.f32 v50, v32;
	v56 =	vmul.f32 v35, v43;
	[tilespmem:v36+s16+$0x0] =	vst.idx.msk $0xffff, v53  }
0xa2: {  	v60 =	vor.u32 v9, v49;
	v51 =	vsel vm12, $0xFF800000, v16;
	v32 =	vsel vm3, v50, v32;
	[tilespmem:v52+s15+$0x0] =	vst.idx.msk $0xffff, v16  }
0xa3: {  	vm13 =	veq.s32 v18, $0x4;
	vm4 =	vgt.f32 v51, v32;
	v59 =	vmul.f32 v35, v44;
	[tilespmem:v52+s16+$0x0] =	vst.idx.msk $0xffff, v56  }
0xa4: {  	v55 =	vsel vm13, $0xFF800000, v17;
	v62 =	vmul.f32 v35, v45;
	v13 =	vsel vm4, v51, v32;
	[tilespmem:v54+s15+$0x0] =	vst.idx.msk $0xffff, v17  }
0xa5: {  	vm14 =	veq.s32 v18, $0x5;
	v63 =	vor.u32 v10, v49;
	vm5 =	vgt.f32 v55, v13;
	[tilespmem:v54+s16+$0x0] =	vst.idx.msk $0xffff, v59  }
0xa6: {  	v58 =	vsel vm2, $0x1, v0;
	v61 =	vsel vm14, $0xFF800000, v19;
	v13 =	vsel vm5, v55, v13;
	[tilespmem:v57+s15+$0x0] =	vst.idx.msk $0xffff, v19  }
0xa7: {  	v25 =	vmul.f32 v35, v46;
	vm2 =	vgt.f32 v61, v13;
	v16 =	vsel vm3, $0x2, v58;
	[tilespmem:v57+s16+$0x0] =	vst.idx.msk $0xffff, v62  }
0xa8: {  	v27 =	vsel vm1, $0xFF800000, v20;
	v13 =	vsel vm2, v61, v13;
	v16 =	vsel vm4, $0x3, v16;
	[tilespmem:v60+s15+$0x0] =	vst.idx.msk $0xffff, v20  }
0xa9: {  	v30 =	vmul.f32 v35, v47;
	vm1 =	vgt.f32 v27, v13;
	v16 =	vsel vm5, $0x4, v16;
	[tilespmem:v60+s16+$0x0] =	vst.idx.msk $0xffff, v25  }
0xaa: {  	v31 =	vnsel vm0, $0xFF800000, v21;
	v13 =	vsel vm1, v27, v13;
	v16 =	vsel vm2, $0x5, v16;
	[tilespmem:v63+s15+$0x0] =	vst.idx.msk $0xffff, v21  }
0xab: {  	vm0 =	vgt.f32 v31, v13;
	v16 =	vsel vm1, $0x6, v16;
	[tilespmem:v63+s16+$0x0] =	vst.idx.msk $0xffff, v30  }
0xac: {  	v13 =	vsel vm0, $0x7, v16;
	[tilespmem:v26+s17+$0x0] =	vst.idx.msk $0xffff, v18  }
0xad: {  	[tilespmem:v28+s17+$0x0] =	vst.idx.msk $0xffff, v13  }
0xae: {  	v13 =	vld [tilespmem:s21+$0x1000]  }
0xaf: {  	v14 =	vld [tilespmem:s21+$0x1080];
	_ =	sdelay $0x1  }
0xb0: {  	v15 =	vld [tilespmem:s21+$0x1100];
	_ =	sdelay $0x1  }
0xb1: {  	v16 =	vld [tilespmem:s21+$0x1180]  }
0xb2: {  	vm15 =	vgt.f32 v14, v13  }
0xb3: {  	v17 =	vld [tilespmem:s21+$0x1200];
	v32 =	vsel vm15, v14, v13  }
0xb4: {  	vm9 =	vgt.f32 v15, v32  }
0xb5: {  	v19 =	vld [tilespmem:s21+$0x1280];
	v18 =	vsel vm9, v15, v32  }
0xb6: {  	vm10 =	vgt.f32 v16, v18  }
0xb7: {  	v20 =	vld [tilespmem:s21+$0x1300];
	v18 =	vsel vm10, v16, v18  }
0xb8: {  	vm11 =	vgt.f32 v17, v18  }
0xb9: {  	v21 =	vld [tilespmem:s21+$0x1380];
	v18 =	vsel vm11, v17, v18  }
0xba: {  	vm12 =	vgt.f32 v19, v18  }
0xbb: {  	v18 =	vsel vm12, v19, v18  }
0xbc: {  	vm13 =	vgt.f32 v20, v18  }
0xbd: {  	v18 =	vsel vm13, v20, v18  }
0xbe: {  	vm14 =	vgt.f32 v21, v18  }
0xbf: {  	vm0 =	vmneg vm14  }
0xc0: {  	v18 =	vsel vm0, v18, v21  }
0xc1: {  	v33 =	vsub.f32 v13, v18  }
0xc2: {  	v34 =	vsub.f32 v14, v18  }
0xc3: {  	v22 =	vmul.f32 $1.442695020e+00, v33  }
0xc4: {  	v35 =	vsub.f32 v15, v18;
	v23 =	vmul.f32 $1.442695020e+00, v34  }
0xc5: {  	(erf) = vpow2.f32 v22  }
0xc6: {  	v37 =	vsub.f32 v16, v18;
	v36 =	vmul.f32 $1.442695020e+00, v35;
	(erf) = vpow2.f32 v23;
	_ =	sdelay $0x1  }
0xc7: {  	v39 =	vsub.f32 v17, v18;
	v38 =	vmul.f32 $1.442695020e+00, v37;
	(erf) = vpow2.f32 v36;
	_ =	sdelay $0x1  }
0xc8: {  	v41 =	vsub.f32 v19, v18;
	v40 =	vmul.f32 $1.442695020e+00, v39;
	(erf) = vpow2.f32 v38;
	_ =	sdelay $0x1  }
0xc9: {  	v43 =	vsub.f32 v20, v18;
	v42 =	vmul.f32 $1.442695020e+00, v41;
	(erf) = vpow2.f32 v40;
	_ =	sdelay $0x1  }
0xca: {  	v18 =	vsub.f32 v21, v18;
	v45 =	vmul.f32 $1.442695020e+00, v43;
	v44 =	vpop (erf);
	(erf) = vpow2.f32 v42  }
0xcb: {  	v46 =	vpop (erf)  }
0xcc: {  	v18 =	vmul.f32 $1.442695020e+00, v18;
	(erf) = vpow2.f32 v45;
	v47 =	vadd.f32 v46, v44  }
0xcd: {  	v48 =	vpop (erf)  }
0xce: {  	(erf) = vpow2.f32 v18;
	v49 =	vadd.f32 v47, v48  }
0xcf: {  	v50 =	vpop (erf)  }
0xd0: {  	v18 =	vadd.f32 v49, v50  }
0xd1: {  	v51 =	vpop (erf)  }
0xd2: {  	v18 =	vadd.f32 v18, v51  }
0xd3: {  	v52 =	vpop (erf)  }
0xd4: {  	v18 =	vadd.f32 v18, v52  }
0xd5: {  	v53 =	vpop (erf)  }
0xd6: {  	v18 =	vadd.f32 v18, v53  }
0xd7: {  	v54 =	vpop (erf)  }
0xd8: {  	v18 =	vadd.f32 v18, v54;
	_ =	sdelay $0x1  }
0xd9: {  	(erf) = vrcp.f32 v18;
	_ =	sdelay $0x4  }
0xda: {  	v56 =	vor.u32 $0x2, v4;
	v55 =	vsel vm15, $0x1, v0  }
0xdb: {  	v57 =	vor.u32 v2, v56;
	v18 =	vsel vm9, $0x2, v55  }
0xdc: {  	v18 =	vsel vm10, $0x3, v18  }
0xdd: {  	v58 =	vor.u32 v3, v56;
	v18 =	vsel vm11, $0x4, v18  }
0xde: {  	v62 =	vor.u32 v5, v56;
	vm1 =	vmand vm13, vm0;
	v18 =	vsel vm12, $0x5, v18;
	v59 =	vpop (erf)  }
0xdf: {  	v35 =	vor.u32 v6, v56;
	v18 =	vsel vm13, $0x6, v18;
	v24 =	vmul.f32 v59, v44  }
0xe0: {  	[tilespmem:v57+s15+$0x0] =	vst.idx.msk $0xffff, v13;
	v41 =	vor.u32 v8, v56;
	v38 =	vor.u32 v7, v56;
	v18 =	vnsel vm0, $0x7, v18  }
0xe1: {  	vm15 =	veq.s32 v18, $0x0;
	vm6 =	veq.s32 v18, $0x1;
	v23 =	vmul.f32 v59, v46;
	[tilespmem:v57+s16+$0x0] =	vst.idx.msk $0xffff, v24  }
0xe2: {  	v47 =	vor.u32 v10, v56;
	v60 =	vsel vm15, $0xFF800000, v13;
	v61 =	vsel vm6, $0xFF800000, v14;
	[tilespmem:v58+s15+$0x0] =	vst.idx.msk $0xffff, v14  }
0xe3: {  	vm7 =	veq.s32 v18, $0x2;
	vm2 =	vgt.f32 v61, v60;
	v37 =	vmul.f32 v59, v48;
	[tilespmem:v58+s16+$0x0] =	vst.idx.msk $0xffff, v23  }
0xe4: {  	v49 =	vor.u32 v11, v56;
	v34 =	vsel vm7, $0xFF800000, v15;
	v63 =	vsel vm2, v61, v60;
	[tilespmem:v62+s15+$0x0] =	vst.idx.msk $0xffff, v15  }
0xe5: {  	vm8 =	veq.s32 v18, $0x3;
	vm3 =	vgt.f32 v34, v63;
	v40 =	vmul.f32 v59, v50;
	[tilespmem:v62+s16+$0x0] =	vst.idx.msk $0xffff, v37  }
0xe6: {  	v36 =	vsel vm8, $0xFF800000, v16;
	v43 =	vmul.f32 v59, v51;
	v24 =	vsel vm3, v34, v63;
	[tilespmem:v35+s15+$0x0] =	vst.idx.msk $0xffff, v16  }
0xe7: {  	vm9 =	veq.s32 v18, $0x4;
	v44 =	vor.u32 v9, v56;
	vm4 =	vgt.f32 v36, v24;
	[tilespmem:v35+s16+$0x0] =	vst.idx.msk $0xffff, v40  }
0xe8: {  	vm10 =	veq.s32 v18, $0x5;
	v39 =	vsel vm9, $0xFF800000, v17;
	v24 =	vsel vm4, v36, v24;
	[tilespmem:v38+s15+$0x0] =	vst.idx.msk $0xffff, v17  }
0xe9: {  	v45 =	vsel vm10, $0xFF800000, v19;
	v46 =	vmul.f32 v59, v52;
	vm5 =	vgt.f32 v39, v24;
	[tilespmem:v38+s16+$0x0] =	vst.idx.msk $0xffff, v43  }
0xea: {  	v42 =	vsel vm2, $0x1, v0;
	v48 =	vmul.f32 v59, v53;
	v15 =	vsel vm5, v39, v24;
	[tilespmem:v41+s15+$0x0] =	vst.idx.msk $0xffff, v19  }
0xeb: {  	v50 =	vsel vm1, $0xFF800000, v20;
	v16 =	vsel vm3, $0x2, v42;
	vm2 =	vgt.f32 v45, v15;
	[tilespmem:v41+s16+$0x0] =	vst.idx.msk $0xffff, v46  }
0xec: {  	v51 =	vor.u32 v12, v56;
	v16 =	vsel vm4, $0x3, v16;
	v15 =	vsel vm2, v45, v15;
	[tilespmem:v44+s15+$0x0] =	vst.idx.msk $0xffff, v20  }
0xed: {  	v52 =	vmul.f32 v59, v54;
	v16 =	vsel vm5, $0x4, v16;
	vm1 =	vgt.f32 v50, v15;
	[tilespmem:v44+s16+$0x0] =	vst.idx.msk $0xffff, v48  }
0xee: {  	v54 =	vnsel vm0, $0xFF800000, v21;
	v53 =	vsel vm2, $0x5, v16;
	v15 =	vsel vm1, v50, v15;
	[tilespmem:v47+s15+$0x0] =	vst.idx.msk $0xffff, v21  }
0xef: {  	v14 =	vsel vm1, $0x6, v53;
	vm0 =	vgt.f32 v54, v15;
	[tilespmem:v47+s16+$0x0] =	vst.idx.msk $0xffff, v52  }
0xf0: {  	v55 =	vsel vm0, $0x7, v14;
	[tilespmem:v49+s17+$0x0] =	vst.idx.msk $0xffff, v18  }
0xf1: {  	[tilespmem:v51+s17+$0x0] =	vst.idx.msk $0xffff, v55  }
0xf2: {  	v13 =	vld [tilespmem:s21+$0x1800]  }
0xf3: {  	v56 =	vld [tilespmem:s21+$0x1880];
	_ =	sdelay $0x1  }
0xf4: {  	v57 =	vld [tilespmem:s21+$0x1900];
	_ =	sdelay $0x1  }
0xf5: {  	v58 =	vld [tilespmem:s21+$0x1980]  }
0xf6: {  	vm11 =	vgt.f32 v56, v13  }
0xf7: {  	v59 =	vld [tilespmem:s21+$0x1A00];
	v60 =	vsel vm11, v56, v13  }
0xf8: {  	vm12 =	vgt.f32 v57, v60  }
0xf9: {  	v19 =	vld [tilespmem:s21+$0x1A80];
	v18 =	vsel vm12, v57, v60  }
0xfa: {  	vm13 =	vgt.f32 v58, v18  }
0xfb: {  	v20 =	vld [tilespmem:s21+$0x1B00];
	v18 =	vsel vm13, v58, v18  }
0xfc: {  	vm14 =	vgt.f32 v59, v18  }
0xfd: {  	v21 =	vld [tilespmem:s21+$0x1B80];
	v18 =	vsel vm14, v59, v18  }
0xfe: {  	vm15 =	vgt.f32 v19, v18  }
0xff: {  	v18 =	vsel vm15, v19, v18  }
0x100: {  	vm8 =	vgt.f32 v20, v18  }
0x101: {  	v18 =	vsel vm8, v20, v18  }
0x102: {  	vm9 =	vgt.f32 v21, v18  }
0x103: {  	vm0 =	vmneg vm9  }
0x104: {  	v18 =	vsel vm0, v18, v21  }
0x105: {  	v61 =	vsub.f32 v13, v18  }
0x106: {  	v62 =	vsub.f32 v56, v18  }
0x107: {  	v22 =	vmul.f32 $1.442695020e+00, v61  }
0x108: {  	v63 =	vsub.f32 v57, v18;
	v23 =	vmul.f32 $1.442695020e+00, v62  }
0x109: {  	(erf) = vpow2.f32 v22  }
0x10a: {  	v29 =	vsub.f32 v58, v18;
	v28 =	vmul.f32 $1.442695020e+00, v63;
	(erf) = vpow2.f32 v23;
	_ =	sdelay $0x1  }
0x10b: {  	v31 =	vsub.f32 v59, v18;
	v30 =	vmul.f32 $1.442695020e+00, v29;
	(erf) = vpow2.f32 v28;
	_ =	sdelay $0x1  }
0x10c: {  	v33 =	vsub.f32 v19, v18;
	v32 =	vmul.f32 $1.442695020e+00, v31;
	(erf) = vpow2.f32 v30;
	_ =	sdelay $0x1  }
0x10d: {  	v35 =	vsub.f32 v20, v18;
	v34 =	vmul.f32 $1.442695020e+00, v33;
	(erf) = vpow2.f32 v32;
	_ =	sdelay $0x1  }
0x10e: {  	v18 =	vsub.f32 v21, v18;
	v37 =	vmul.f32 $1.442695020e+00, v35;
	v36 =	vpop (erf);
	(erf) = vpow2.f32 v34  }
0x10f: {  	v38 =	vpop (erf)  }
0x110: {  	v18 =	vmul.f32 $1.442695020e+00, v18;
	(erf) = vpow2.f32 v37;
	v39 =	vadd.f32 v38, v36  }
0x111: {  	v40 =	vpop (erf)  }
0x112: {  	(erf) = vpow2.f32 v18;
	v41 =	vadd.f32 v39, v40  }
0x113: {  	v42 =	vpop (erf)  }
0x114: {  	v18 =	vadd.f32 v41, v42  }
0x115: {  	v43 =	vpop (erf)  }
0x116: {  	v18 =	vadd.f32 v18, v43  }
0x117: {  	v44 =	vpop (erf)  }
0x118: {  	v18 =	vadd.f32 v18, v44  }
0x119: {  	v45 =	vpop (erf)  }
0x11a: {  	v18 =	vadd.f32 v18, v45  }
0x11b: {  	v46 =	vpop (erf)  }
0x11c: {  	v18 =	vadd.f32 v18, v46;
	_ =	sdelay $0x1  }
0x11d: {  	(erf) = vrcp.f32 v18;
	_ =	sdelay $0x2  }
0x11e: {  	v47 =	vsel vm11, $0x1, v0  }
0x11f: {  	v30 =	vsel vm12, $0x2, v47  }
0x120: {  	v4 =	vor.u32 $0x3, v4;
	v48 =	vsel vm13, $0x3, v30  }
0x121: {  	v2 =	vor.u32 v2, v4;
	v18 =	vsel vm14, $0x4, v48  }
0x122: {  	v18 =	vsel vm15, $0x5, v18  }
0x123: {  	v3 =	vor.u32 v3, v4;
	v18 =	vsel vm8, $0x6, v18  }
0x124: {  	v5 =	vor.u32 v5, v4;
	v18 =	vnsel vm0, $0x7, v18;
	v52 =	vpop (erf)  }
0x125: {  	vm10 =	veq.s32 v18, $0x0;
	vm11 =	veq.s32 v18, $0x1;
	v24 =	vmul.f32 v52, v36  }
0x126: {  	v6 =	vor.u32 v6, v4;
	[tilespmem:v2+s15+$0x0] =	vst.idx.msk $0xffff, v13;
	v49 =	vsel vm10, $0xFF800000, v13;
	v50 =	vsel vm11, $0xFF800000, v56  }
0x127: {  	vm12 =	veq.s32 v18, $0x2;
	vm2 =	vgt.f32 v50, v49;
	v53 =	vmul.f32 v52, v38;
	[tilespmem:v2+s16+$0x0] =	vst.idx.msk $0xffff, v24  }
0x128: {  	v7 =	vor.u32 v7, v4;
	v51 =	vsel vm12, $0xFF800000, v57;
	v30 =	vsel vm2, v50, v49;
	[tilespmem:v3+s15+$0x0] =	vst.idx.msk $0xffff, v56  }
0x129: {  	vm13 =	veq.s32 v18, $0x3;
	vm3 =	vgt.f32 v51, v30;
	[tilespmem:v3+s16+$0x0] =	vst.idx.msk $0xffff, v53;
	v3 =	vmul.f32 v52, v40  }
0x12a: {  	v55 =	vor.u32 v8, v4;
	v30 =	vsel vm3, v51, v30;
	v2 =	vsel vm13, $0xFF800000, v58;
	[tilespmem:v5+s15+$0x0] =	vst.idx.msk $0xffff, v57  }
0x12b: {  	vm4 =	vgt.f32 v2, v30;
	[tilespmem:v5+s16+$0x0] =	vst.idx.msk $0xffff, v3;
	v3 =	vmul.f32 v52, v42  }
0x12c: {  	vm1 =	vmand vm8, vm0;
	vm14 =	veq.s32 v18, $0x4;
	v2 =	vsel vm4, v2, v30;
	[tilespmem:v6+s15+$0x0] =	vst.idx.msk $0xffff, v58  }
0x12d: {  	v54 =	vsel vm14, $0xFF800000, v59;
	v57 =	vor.u32 v9, v4;
	[tilespmem:v6+s16+$0x0] =	vst.idx.msk $0xffff, v3;
	v3 =	vmul.f32 v52, v43  }
0x12e: {  	v60 =	vor.u32 v11, v4;
	v61 =	vsel vm1, $0xFF800000, v20;
	vm5 =	vgt.f32 v54, v2;
	[tilespmem:v7+s15+$0x0] =	vst.idx.msk $0xffff, v59  }
0x12f: {  	vm15 =	veq.s32 v18, $0x5;
	v59 =	vor.u32 v10, v4;
	[tilespmem:v7+s16+$0x0] =	vst.idx.msk $0xffff, v3;
	v3 =	vmul.f32 v52, v44  }
0x130: {  	v56 =	vsel vm2, $0x1, v0;
	v2 =	vsel vm5, v54, v2;
	v58 =	vsel vm15, $0xFF800000, v19;
	[tilespmem:v55+s15+$0x0] =	vst.idx.msk $0xffff, v19  }
0x131: {  	v8 =	vsel vm3, $0x2, v56;
	vm2 =	vgt.f32 v58, v2;
	[tilespmem:v55+s16+$0x0] =	vst.idx.msk $0xffff, v3;
	v3 =	vmul.f32 v52, v45  }
0x132: {  	p0 =	sne.s32 s20, $0xF0;
	v8 =	vsel vm4, $0x3, v8;
	v2 =	vsel vm2, v58, v2;
	v4 =	vor.u32 v12, v4;
	[tilespmem:v57+s15+$0x0] =	vst.idx.msk $0xffff, v20  }
.Ltmp0:
0x133: {  	v8 =	vsel vm5, $0x4, v8;
	vm1 =	vgt.f32 v61, v2;
	[tilespmem:v57+s16+$0x0] =	vst.idx.msk $0xffff, v3;
	v3 =	vmul.f32 v52, v46;
	(pc) =	sbr.rel @p0 .LBB2_2-.Ltmp0, $4  }
0x134: {  	v63 =	vnsel vm0, $0xFF800000, v21;
	v62 =	vsel vm2, $0x5, v8;
	v2 =	vsel vm1, v61, v2;
	[tilespmem:v59+s15+$0x0] =	vst.idx.msk $0xffff, v21  }
0x135: {  	v6 =	vsel vm1, $0x6, v62;
	vm0 =	vgt.f32 v63, v2;
	[tilespmem:v59+s16+$0x0] =	vst.idx.msk $0xffff, v3  }
0x136: {  	v2 =	vsel vm0, $0x7, v6;
	[tilespmem:v60+s17+$0x0] =	vst.idx.msk $0xffff, v18  }
0x137: {  	s19 =	sadd.s32 $0x80, s19;
	s20 =	sadd.s32 $0x10, s20;
	[tilespmem:v4+s17+$0x0] =	vst.idx.msk $0xffff, v2  }
0x138: {  	[hbm4b:s7+s2] =	stream.linear.scatter [tilespmem:s15], [sflag:$0x1], $0x2000, $0x38;
	[tilespmem:$0x6800] =	vst v63  }
0x139: {  	_ =	swait.ge [sflag:s11], $0x2000  }
0x13a: {  	[sflag:s11] =	ssyncset.done $0x0  }
0x13b: {  	[sflag:s11] =	ssyncadd.s32 $0xFFFFE000  }
0x13c: {  	[hbm4b:s8+s2] =	stream.linear.scatter [tilespmem:s16], [sflag:$0x1], $0x2000, $0x38;
	[tilespmem:$0x6800] =	vst v63  }
0x13d: {  	s18 =	sadd.s32 $0x1, s18;
	_ =	swait.ge [sflag:s11], $0x2000  }
0x13e: {  	p0 =	sne.s32 s18, s10;
	[sflag:s11] =	ssyncset.done $0x0  }
.Ltmp1:
0x13f: {  	[sflag:s11] =	ssyncadd.s32 $0xFFFFE000;
	(pc) =	sbr.rel @p0 .LBB2_1-.Ltmp1, $4  }
0x140: {  	[hbm4b:s9+s2] =	stream.linear.scatter [tilespmem:s17], [sflag:$0x1], $0x800, $0x38;
	[tilespmem:$0x6800] =	vst v63  }
0x141: {  	_ =	swait.ge [sflag:s11], $0x800  }
0x142: {  	[sflag:s11] =	ssyncset.done $0x0  }
0x143: {  	[sflag:s11] =	ssyncadd.s32 $0xFFFFF800  }
0x144: {  	_ =	sfence.sel $0x180000  }
0x145: {  	[bflag:$0x0] =	sbarrier.arrive $0xFFFF  }
0x146: {  	p0 =	sne.s32 s0, $0x0;
	_ =	strace $0x90000047  }
0x147: {  	s0 =	sadd.s32 @!p0 $0x100000, s1;
	[bflag:$0x2] =	sbarrier.arrive $0xFFFF  }
0x148: {  	[sflag:s0] =	ssyncadd.tile.s32 @!p0 $0x1;
	_ =	shalt  }
.Lfunc_end2:
_tile_overlayer_lowered:
.L_overlay_start_2:
0x149: {  	(tag) =	ssettag $0x2  }
0x14a: {  	s0 =	rddreg [dreg:$0x0];
	s2 =	stileid.u32  }
0x14b: {  	s1 =	rddreg [dreg:$0x1];
	p0 =	sne.s32 s2, $0x0  }
0x14c: {  	s3 =	rddreg [dreg:$0x2];
	[bflag:$0x3] =	sbarrier.arrive $0xFFFF;
	s2 =	simm.s32 @!p0 $0x1C01  }
0x14d: {  	[timem:s3], [sflag:s2] =	dma.local @!p0 [hbm:s0], s1  }
0x14e: {  	s0 =	simm.s32 @!p0 $0x1  }
0x14f: {  	_ =	swait.ge @!p0 [sflag:s0], s1  }
0x150: {  	s1 =	ssub.s32 @!p0 $0x0, s1;
	[sflag:s0] =	ssyncset.done @!p0 $0x0  }
0x151: {  	[sflag:s0] =	ssyncadd.s32 @!p0 s1  }
0x152: {  	[bflag:$0x3] =	sbarrier.arrive $0xFFFF  }
0x153: {  	_ =	shalt  }

</sc_bundles>
